<compile_context>
chip_gen: v7x
topology: tpu7x:2x2x1
jax: 0.10.2.dev20260603
libtpu: 0.0.44.dev20260713+nightly
codegen_flags: <defaults>
</compile_context>

<pallas_src>
import functools

import jax
import jax.numpy as jnp
from jax import lax
from jax.experimental import pallas as pl
from jax.experimental.pallas import tpu as pltpu
from jax.experimental.pallas import tpu_sc as plsc

N = 10000
E = 320000
IN = 128
H = 8
C = 16
HC = H * C

E1 = E + N
NC, NS = 2, 16
NW = NC * NS

EP = 360448
T1 = EP // NS
T2 = EP // NW
IR1 = T1 // 128
IR2 = T2 // 128
RB = 8
RQ = 2 * RB
SUB = 128
SUB2 = 64
NZ = 624

_DNUMS = lax.GatherDimensionNumbers(
    offset_dims=(), collapsed_slice_dims=(0,), start_index_map=(0,))


def _dyngather(x, idx):
    return lax.gather(x, idx[:, None], _DNUMS, slice_sizes=(1,),
                      mode=lax.GatherScatterMode.PROMISE_IN_BOUNDS)


def _tc_prep(x_ref, w_ref, mcat_ref, p_ref, xw_ref, asd_ref, srow_ref):
    xw = jnp.dot(x_ref[...], w_ref[...], preferred_element_type=jnp.float32)
    xw_ref[...] = xw
    asd = jnp.dot(xw, mcat_ref[...], preferred_element_type=jnp.float32)
    asd_ref[...] = asd
    m = jnp.max(asd, axis=0, keepdims=True)
    s = jnp.dot(m, p_ref[...], preferred_element_type=jnp.float32)
    srow_ref[...] = jnp.maximum(s, 0.2 * s)


def _tc_final(acc_ref, x_ref, b_ref, out_ref):
    out_ref[...] = acc_ref[0] + acc_ref[1] + x_ref[...] + b_ref[...]


def _sc_body(asd, xw, srcp, dstp, shift,
             expalpha, outacc,
             sh_out, sh_den, sh_asd, srcv, dstv,
             svbuf, dvbuf, xwbuf, shiftv, sem1, sem2, sem3):
    c = lax.axis_index("c")
    s = lax.axis_index("s")
    w = s * NC + c

    lane = lax.iota(jnp.int32, 16)
    hi_idx = (lane & 7) + 8
    lo_maskf = jnp.clip(8.0 - lane.astype(jnp.float32), 0.0, 1.0)

    @plsc.parallel_loop(0, SUB)
    def _(r):
        zrow = jnp.zeros((16,), jnp.float32)
        for q in range(HC // 16):
            xwbuf[r, pl.ds(q * 16, 16)] = zrow
        svbuf[r, :] = zrow

    for q in range(5):
        pltpu.sync_copy(xwbuf.at[pl.ds(0, 125)],
                        sh_out.at[pl.ds(s * 625 + q * 125, 125)])
        pltpu.sync_copy(svbuf.at[pl.ds(0, 125)],
                        sh_den.at[pl.ds(s * 625 + q * 125, 125)])
    pltpu.sync_copy(asd.at[pl.ds(s * NZ, NZ)], sh_asd.at[pl.ds(s * NZ, NZ)])

    @pl.when(s == 0)
    def _():
        pltpu.sync_copy(asd.at[pl.ds(NS * NZ, N - NS * NZ)],
                        sh_asd.at[pl.ds(NS * NZ, N - NS * NZ)])

    pltpu.sync_copy(shift.at[pl.ds(0, 16)], shiftv)
    plsc.subcore_barrier()

    sv = shiftv[...]

    def p1_blk(ib, _):
        r0 = s * IR1 + ib * RB
        e0 = r0 * 128

        @pl.when(e0 < E1)
        def _():
            d1 = pltpu.async_copy(srcp.at[pl.ds(r0, RB)], srcv, sem1)
            d2 = pltpu.async_copy(dstp.at[pl.ds(r0, RB)], dstv, sem2)
            d1.wait(); d2.wait()

            def p1_sub(j, _):
                es = e0 + j * SUB

                @pl.when(es < E1)
                def _():
                    g1 = pltpu.async_copy(sh_asd.at[srcv.at[j]], svbuf, sem1)
                    g2 = pltpu.async_copy(sh_asd.at[dstv.at[j]], dvbuf, sem2)
                    g1.wait(); g2.wait()

                    @plsc.parallel_loop(0, SUB, unroll=8)
                    def _(e):
                        srow = svbuf[e, :]
                        drow = _dyngather(dvbuf[e, :], hi_idx)
                        t = srow + drow
                        t = jnp.maximum(t, 0.2 * t)
                        z = jnp.exp(t - sv)
                        padf = jnp.clip((E1 - (es + e)).astype(jnp.float32),
                                        0.0, 1.0)
                        svbuf[e, :] = z * (lo_maskf * padf)

                    w1 = pltpu.async_copy(svbuf, expalpha.at[pl.ds(es, SUB)],
                                          sem1)
                    w2 = pltpu.async_copy(svbuf, sh_den.at[dstv.at[j]],
                                          sem2, add=True)
                    w1.wait(); w2.wait()
                return 0
            lax.fori_loop(0, RB, p1_sub, 0)
        return 0
    lax.fori_loop(0, IR1 // RB, p1_blk, 0)
    plsc.subcore_barrier()

    ev, dbuf = svbuf, dvbuf

    def p2_blk(ib, _):
        r0 = w * IR2 + ib * RB
        e0 = r0 * 128

        @pl.when(e0 < E1)
        def _():
            d1 = pltpu.async_copy(srcp.at[pl.ds(r0, RB)], srcv, sem1)
            d2 = pltpu.async_copy(dstp.at[pl.ds(r0, RB)], dstv, sem2)
            d1.wait(); d2.wait()

            def p2_sub(j, _):
                es = e0 + j * SUB

                @pl.when(es < E1)
                def _():
                    g1 = pltpu.async_copy(expalpha.at[pl.ds(es, SUB)],
                                          ev, sem1)
                    g2 = pltpu.async_copy(xw.at[srcv.at[j]], xwbuf, sem2)
                    g3 = pltpu.async_copy(sh_den.at[dstv.at[j]], dbuf, sem3)
                    g1.wait(); g2.wait(); g3.wait()

                    @plsc.parallel_loop(0, SUB, unroll=4)
                    def _(e):
                        a = ev[e, :] / (dbuf[e, :] + 1e-16)
                        ev[e, :] = a
                        for h in range(H):
                            sp = jnp.full((16,), a[h], jnp.float32)
                            xwbuf[e, pl.ds(h * 16, 16)] = (
                                xwbuf[e, pl.ds(h * 16, 16)] * sp)

                    w1 = pltpu.async_copy(ev, expalpha.at[pl.ds(es, SUB)],
                                          sem1)
                    w2 = pltpu.async_copy(xwbuf, sh_out.at[dstv.at[j]],
                                          sem2, add=True)
                    w1.wait(); w2.wait()
                return 0
            lax.fori_loop(0, RB, p2_sub, 0)
        return 0
    lax.fori_loop(0, IR2 // RB, p2_blk, 0)
    plsc.subcore_barrier()

    pltpu.sync_copy(sh_out.at[pl.ds(s * NZ, NZ)],
                    outacc.at[c].at[pl.ds(s * NZ, NZ)])

    @pl.when(s == 0)
    def _():
        pltpu.sync_copy(sh_out.at[pl.ds(NS * NZ, N - NS * NZ)],
                        outacc.at[c].at[pl.ds(NS * NZ, N - NS * NZ)])


_sc_edge = functools.partial(
    pl.kernel,
    out_type=(
        jax.ShapeDtypeStruct((EP, 16), jnp.float32),
        jax.ShapeDtypeStruct((NC, N, HC), jnp.float32),
    ),
    mesh=plsc.VectorSubcoreMesh(core_axis_name="c", subcore_axis_name="s"),
    compiler_params=pltpu.CompilerParams(use_tc_tiling_on_sc=False),
    scratch_types=[
        pltpu.VMEM_SHARED((N, HC), jnp.float32),
        pltpu.VMEM_SHARED((N, 16), jnp.float32),
        pltpu.VMEM_SHARED((N, 16), jnp.float32),
        pltpu.VMEM((RB, 128), jnp.int32),
        pltpu.VMEM((RB, 128), jnp.int32),
        pltpu.VMEM((SUB, 16), jnp.float32),
        pltpu.VMEM((SUB, 16), jnp.float32),
        pltpu.VMEM((SUB, HC), jnp.float32),
        pltpu.VMEM((16,), jnp.float32),
        pltpu.SemaphoreType.DMA,
        pltpu.SemaphoreType.DMA,
        pltpu.SemaphoreType.DMA,
    ],
)(_sc_body)


def kernel(x, edge_index, W, att_src, att_dst, bias):
    f32 = jnp.float32
    loops = jnp.arange(N, dtype=jnp.int32)
    pad = jnp.zeros((EP - E1,), dtype=jnp.int32)
    srcf = jnp.concatenate([edge_index[0], loops, pad])
    dstf = jnp.concatenate([edge_index[1], loops, pad])
    srcp = srcf.reshape(EP // 128, 128)
    dstp = dstf.reshape(EP // 128, 128)

    eye = jnp.eye(H, dtype=f32)
    m_src = (att_src[:, :, None] * eye[:, None, :]).reshape(HC, H)
    m_dst = (att_dst[:, :, None] * eye[:, None, :]).reshape(HC, H)
    mcat = jnp.concatenate([m_src, m_dst], axis=1)
    p128 = jnp.tile(eye, (2, 16))

    xw, asd, srow = pl.pallas_call(
        _tc_prep,
        out_shape=(
            jax.ShapeDtypeStruct((N, HC), f32),
            jax.ShapeDtypeStruct((N, 16), f32),
            jax.ShapeDtypeStruct((1, 128), f32),
        ),
    )(x, W, mcat, p128)

    shift = srow.reshape(128)
    expalpha, outacc = _sc_edge(asd, xw, srcp, dstp, shift)

    out = pl.pallas_call(
        _tc_final,
        out_shape=jax.ShapeDtypeStruct((N, HC), f32),
    )(outacc, x, bias.reshape(1, HC))

    return out, expalpha[:E1, :8]

# --- scband reference (transcript-rebuilt; emitter-appended) ---
"""Pipeline reference for scband-gatlayer-670014898392 (READ-ONLY COPY).

The authoritative reference and input builder live on the scoring server;
editing this copy changes nothing except your own understanding.
"""

import jax, jax.numpy as jnp
import numpy as np

N = 10000
E = 320000
IN = 128
H = 8
C = 16


def setup_inputs(seed: int = 0) -> dict:
    key = jax.random.key(seed)
    k1, k2, k3, k4, k5, k6 = jax.random.split(key, 6)
    x = jax.random.normal(k1, (N, IN), dtype=jnp.float32)
    edge_index = jax.random.randint(k2, (2, E), 0, N, dtype=jnp.int32)
    # GATConv parameters (glorot init)
    lim_w = float(np.sqrt(6.0 / (IN + H * C)))
    W = jax.random.uniform(k3, (IN, H * C), minval=-lim_w, maxval=lim_w, dtype=jnp.float32)
    lim_a = float(np.sqrt(6.0 / (1 + C)))
    att_src = jax.random.uniform(k4, (H, C), minval=-lim_a, maxval=lim_a, dtype=jnp.float32)
    att_dst = jax.random.uniform(k5, (H, C), minval=-lim_a, maxval=lim_a, dtype=jnp.float32)
    bias = jnp.zeros((H * C,), dtype=jnp.float32)
    return {"x": x, "edge_index": edge_index, "W": W, "att_src": att_src, "att_dst": att_dst, "bias": bias}


def reference(x, edge_index, W, att_src, att_dst, bias):
    n = x.shape[0]
    # add self loops (GATConv add_self_loops=True)
    loops = jnp.arange(n, dtype=edge_index.dtype)
    ei = jnp.concatenate([edge_index, jnp.stack([loops, loops])], axis=1)
    src, dst = ei[0], ei[1]
    # linear projection, reshape to heads
    xw = (x @ W).reshape(n, H, C)
    # per-node attention logits
    a_src = jnp.sum(xw * att_src[None, :, :], axis=-1)  # [N, H]
    a_dst = jnp.sum(xw * att_dst[None, :, :], axis=-1)  # [N, H]
    # per-edge logits, leaky relu (slope 0.2)
    alpha = a_src[src] + a_dst[dst]                      # [E', H]
    alpha = jnp.where(alpha > 0, alpha, 0.2 * alpha)
    # softmax over edges grouped by destination node
    m = jax.ops.segment_max(alpha, dst, num_segments=n)  # every node has a self loop
    alpha = jnp.exp(alpha - m[dst])
    denom = jax.ops.segment_sum(alpha, dst, num_segments=n)
    alpha = alpha / (denom[dst] + 1e-16)
    # message passing: weighted sum of source features per destination
    msg = xw[src] * alpha[:, :, None]                    # [E', H, C]
    out = jax.ops.segment_sum(msg, dst, num_segments=n).reshape(n, H * C)
    out = out + bias
    # residual: in_channels == heads*out_channels, identity residual
    out = out + x
    # out_dropout is identity in eval mode (p effectively 0)
    return (out, alpha)

if __name__ == "__main__":
    import jax
    _d = setup_inputs()
    print(jax.jit(kernel)(*tuple(_d.values())))

</pallas_src>

<mosaic_0001>
#map = affine_map<(d0, d1) -> (0, 0)>
#map1 = affine_map<(d0, d1) -> (0)>
#map2 = affine_map<(d0, d1) -> (0, 0, 0)>
module attributes {stable_mosaic.version = 14 : i64} {
  func.func @_sc_body(%arg0: i32, %arg1: i32, %arg2: memref<10000x16xf32, #tpu.memory_space<hbm>>, %arg3: memref<10000x128xf32, #tpu.memory_space<hbm>>, %arg4: memref<2816x128xi32, #tpu.memory_space<hbm>>, %arg5: memref<2816x128xi32, #tpu.memory_space<hbm>>, %arg6: memref<128xf32, #tpu.memory_space<hbm>>, %arg7: memref<360448x16xf32, #tpu.memory_space<hbm>>, %arg8: memref<2x10000x128xf32, #tpu.memory_space<hbm>>, %arg9: memref<10000x128xf32, #tpu.memory_space<vmem_shared>>, %arg10: memref<10000x16xf32, #tpu.memory_space<vmem_shared>>, %arg11: memref<10000x16xf32, #tpu.memory_space<vmem_shared>>, %arg12: memref<8x128xi32, #tpu.memory_space<vmem>>, %arg13: memref<8x128xi32, #tpu.memory_space<vmem>>, %arg14: memref<128x16xf32, #tpu.memory_space<vmem>>, %arg15: memref<128x16xf32, #tpu.memory_space<vmem>>, %arg16: memref<128x128xf32, #tpu.memory_space<vmem>>, %arg17: memref<16xf32, #tpu.memory_space<vmem>>, %arg18: memref<!tpu.dma_semaphore, #tpu.memory_space<semaphore_mem>>, %arg19: memref<!tpu.dma_semaphore, #tpu.memory_space<semaphore_mem>>, %arg20: memref<!tpu.dma_semaphore, #tpu.memory_space<semaphore_mem>>) attributes {dimension_semantics = [#tpu.dimension_semantics<core_parallel>, #tpu.dimension_semantics<subcore_parallel>], iteration_bounds = array<i64: 2, 16>, scalar_prefetch = 0 : i64, scratch_operands = 12 : i64, tpu.core_type = #tpu.core_type<sc_vector_subcore>, window_params = [{transform_indices = #map}, {transform_indices = #map}, {transform_indices = #map}, {transform_indices = #map}, {transform_indices = #map1}, {transform_indices = #map}, {transform_indices = #map2}]} {
    %mul3A = arith.constant 2 : i32
    %mul3A_0 = arith.muli %arg1, %mul3A : i32
    %add3A = arith.addi %mul3A_0, %arg0 : i32
    %iota3A = tpu.iota {dimensions = array<i32: 0>} : vector<16xi32>
    %and3A = arith.constant 7 : i32
    %and3A_1 = vector.broadcast %and3A : i32 to vector<16xi32>
    %and3A_2 = arith.andi %iota3A, %and3A_1 : vector<16xi32>
    %add3A_3 = arith.constant 8 : i32
    %add3A_4 = vector.broadcast %add3A_3 : i32 to vector<16xi32>
    %add3A_5 = arith.addi %and3A_2, %add3A_4 : vector<16xi32>
    %convert_element_type3A = arith.sitofp %iota3A : vector<16xi32> to vector<16xf32>
    %sub3A = arith.constant 8.000000e+00 : f32
    %sub3A_6 = vector.broadcast %sub3A : f32 to vector<16xf32>
    %sub3A_7 = arith.subf %sub3A_6, %convert_element_type3A : vector<16xf32>
    %jit3A = arith.constant 0.000000e+00 : f32
    %jit3A_8 = arith.constant 1.000000e+00 : f32
    %max3A = vector.broadcast %jit3A : f32 to vector<16xf32>
    %max3A_9 = arith.maximumf %max3A, %sub3A_7 : vector<16xf32>
    %min3A = vector.broadcast %jit3A_8 : f32 to vector<16xf32>
    %min3A_10 = arith.minimumf %min3A, %max3A_9 : vector<16xf32>
    %parallel_loop3A = arith.constant 0 : i32
    %parallel_loop3A_11 = arith.constant 128 : i32
    %parallel_loop3A_12 = arith.constant 1 : i32
    scf.for %parallel_loop3A_86 = %parallel_loop3A to %parallel_loop3A_11 step %parallel_loop3A_12  : i32 {
      %parallel_loop3A_87 = arith.constant 0.000000e+00 : f32
      %parallel_loop3A_88 = vector.broadcast %parallel_loop3A_87 : f32 to vector<16xf32>
      %parallel_loop3A_89 = arith.index_cast %parallel_loop3A_86 : i32 to index
      %parallel_loop3A_90 = arith.constant 0 : index
      %parallel_loop3A_91 = tpu.vector_load %arg16[%parallel_loop3A_89, %parallel_loop3A_90] {strides = array<i32>} : memref<128x128xf32, #tpu.memory_space<vmem>>, vector<1x16xf32>,
      %parallel_loop3A_92 = vector.shape_cast %parallel_loop3A_91 : vector<1x16xf32> to vector<16xf32>
      %parallel_loop3A_93 = vector.shape_cast %parallel_loop3A_88 : vector<16xf32> to vector<1x16xf32>
      tpu.vector_store %arg16[%parallel_loop3A_89, %parallel_loop3A_90], %parallel_loop3A_93 {strides = array<i32>} : memref<128x128xf32, #tpu.memory_space<vmem>>, vector<1x16xf32>,
      %parallel_loop3A_94 = arith.index_cast %parallel_loop3A_86 : i32 to index
      %parallel_loop3A_95 = arith.constant 16 : index
      %parallel_loop3A_96 = tpu.vector_load %arg16[%parallel_loop3A_94, %parallel_loop3A_95] {strides = array<i32>} : memref<128x128xf32, #tpu.memory_space<vmem>>, vector<1x16xf32>,
      %parallel_loop3A_97 = vector.shape_cast %parallel_loop3A_96 : vector<1x16xf32> to vector<16xf32>
      %parallel_loop3A_98 = vector.shape_cast %parallel_loop3A_88 : vector<16xf32> to vector<1x16xf32>
      tpu.vector_store %arg16[%parallel_loop3A_94, %parallel_loop3A_95], %parallel_loop3A_98 {strides = array<i32>} : memref<128x128xf32, #tpu.memory_space<vmem>>, vector<1x16xf32>,
      %parallel_loop3A_99 = arith.index_cast %parallel_loop3A_86 : i32 to index
      %parallel_loop3A_100 = arith.constant 32 : index
      %parallel_loop3A_101 = tpu.vector_load %arg16[%parallel_loop3A_99, %parallel_loop3A_100] {strides = array<i32>} : memref<128x128xf32, #tpu.memory_space<vmem>>, vector<1x16xf32>,
      %parallel_loop3A_102 = vector.shape_cast %parallel_loop3A_101 : vector<1x16xf32> to vector<16xf32>
      %parallel_loop3A_103 = vector.shape_cast %parallel_loop3A_88 : vector<16xf32> to vector<1x16xf32>
      tpu.vector_store %arg16[%parallel_loop3A_99, %parallel_loop3A_100], %parallel_loop3A_103 {strides = array<i32>} : memref<128x128xf32, #tpu.memory_space<vmem>>, vector<1x16xf32>,
      %parallel_loop3A_104 = arith.index_cast %parallel_loop3A_86 : i32 to index
      %parallel_loop3A_105 = arith.constant 48 : index
      %parallel_loop3A_106 = tpu.vector_load %arg16[%parallel_loop3A_104, %parallel_loop3A_105] {strides = array<i32>} : memref<128x128xf32, #tpu.memory_space<vmem>>, vector<1x16xf32>,
      %parallel_loop3A_107 = vector.shape_cast %parallel_loop3A_106 : vector<1x16xf32> to vector<16xf32>
      %parallel_loop3A_108 = vector.shape_cast %parallel_loop3A_88 : vector<16xf32> to vector<1x16xf32>
      tpu.vector_store %arg16[%parallel_loop3A_104, %parallel_loop3A_105], %parallel_loop3A_108 {strides = array<i32>} : memref<128x128xf32, #tpu.memory_space<vmem>>, vector<1x16xf32>,
      %parallel_loop3A_109 = arith.index_cast %parallel_loop3A_86 : i32 to index
      %parallel_loop3A_110 = arith.constant 64 : index
      %parallel_loop3A_111 = tpu.vector_load %arg16[%parallel_loop3A_109, %parallel_loop3A_110] {strides = array<i32>} : memref<128x128xf32, #tpu.memory_space<vmem>>, vector<1x16xf32>,
      %parallel_loop3A_112 = vector.shape_cast %parallel_loop3A_111 : vector<1x16xf32> to vector<16xf32>
      %parallel_loop3A_113 = vector.shape_cast %parallel_loop3A_88 : vector<16xf32> to vector<1x16xf32>
      tpu.vector_store %arg16[%parallel_loop3A_109, %parallel_loop3A_110], %parallel_loop3A_113 {strides = array<i32>} : memref<128x128xf32, #tpu.memory_space<vmem>>, vector<1x16xf32>,
      %parallel_loop3A_114 = arith.index_cast %parallel_loop3A_86 : i32 to index
      %parallel_loop3A_115 = arith.constant 80 : index
      %parallel_loop3A_116 = tpu.vector_load %arg16[%parallel_loop3A_114, %parallel_loop3A_115] {strides = array<i32>} : memref<128x128xf32, #tpu.memory_space<vmem>>, vector<1x16xf32>,
      %parallel_loop3A_117 = vector.shape_cast %parallel_loop3A_116 : vector<1x16xf32> to vector<16xf32>
      %parallel_loop3A_118 = vector.shape_cast %parallel_loop3A_88 : vector<16xf32> to vector<1x16xf32>
      tpu.vector_store %arg16[%parallel_loop3A_114, %parallel_loop3A_115], %parallel_loop3A_118 {strides = array<i32>} : memref<128x128xf32, #tpu.memory_space<vmem>>, vector<1x16xf32>,
      %parallel_loop3A_119 = arith.index_cast %parallel_loop3A_86 : i32 to index
      %parallel_loop3A_120 = arith.constant 96 : index
      %parallel_loop3A_121 = tpu.vector_load %arg16[%parallel_loop3A_119, %parallel_loop3A_120] {strides = array<i32>} : memref<128x128xf32, #tpu.memory_space<vmem>>, vector<1x16xf32>,
      %parallel_loop3A_122 = vector.shape_cast %parallel_loop3A_121 : vector<1x16xf32> to vector<16xf32>
      %parallel_loop3A_123 = vector.shape_cast %parallel_loop3A_88 : vector<16xf32> to vector<1x16xf32>
      tpu.vector_store %arg16[%parallel_loop3A_119, %parallel_loop3A_120], %parallel_loop3A_123 {strides = array<i32>} : memref<128x128xf32, #tpu.memory_space<vmem>>, vector<1x16xf32>,
      %parallel_loop3A_124 = arith.index_cast %parallel_loop3A_86 : i32 to index
      %parallel_loop3A_125 = arith.constant 112 : index
      %parallel_loop3A_126 = tpu.vector_load %arg16[%parallel_loop3A_124, %parallel_loop3A_125] {strides = array<i32>} : memref<128x128xf32, #tpu.memory_space<vmem>>, vector<1x16xf32>,
      %parallel_loop3A_127 = vector.shape_cast %parallel_loop3A_126 : vector<1x16xf32> to vector<16xf32>
      %parallel_loop3A_128 = vector.shape_cast %parallel_loop3A_88 : vector<16xf32> to vector<1x16xf32>
      tpu.vector_store %arg16[%parallel_loop3A_124, %parallel_loop3A_125], %parallel_loop3A_128 {strides = array<i32>} : memref<128x128xf32, #tpu.memory_space<vmem>>, vector<1x16xf32>,
      %parallel_loop3A_129 = arith.index_cast %parallel_loop3A_86 : i32 to index
      %parallel_loop3A_130 = arith.constant 0 : index
      %parallel_loop3A_131 = tpu.vector_load %arg14[%parallel_loop3A_129, %parallel_loop3A_130] {strides = array<i32>} : memref<128x16xf32, #tpu.memory_space<vmem>>, vector<1x16xf32>,
      %parallel_loop3A_132 = vector.shape_cast %parallel_loop3A_131 : vector<1x16xf32> to vector<16xf32>
      %parallel_loop3A_133 = vector.shape_cast %parallel_loop3A_88 : vector<16xf32> to vector<1x16xf32>
      tpu.vector_store %arg14[%parallel_loop3A_129, %parallel_loop3A_130], %parallel_loop3A_133 {strides = array<i32>} : memref<128x16xf32, #tpu.memory_space<vmem>>, vector<1x16xf32>,
    } {sc.loop_unroll_factor = 1 : i64, sc.parallel_access}
    %mul3A_13 = arith.constant 625 : i32
    %mul3A_14 = arith.muli %arg1, %mul3A_13 : i32
    %add3A_15 = arith.constant 0 : i32
    %add3A_16 = arith.addi %mul3A_14, %add3A_15 : i32
    "tpu.region"() ({
      %run_scoped3A = tpu.sem_alloc : memref<!tpu.dma_semaphore, #tpu.memory_space<semaphore_mem>>
      %dma_start3A = arith.constant 0 : i32
      %dma_start3A_86 = arith.constant 0 : i32
      %dma_start3A_87 = tpu.memref_slice %arg16[%dma_start3A, %dma_start3A_86] : memref<128x128xf32, #tpu.memory_space<vmem>> -> memref<125x128xf32, #tpu.memory_space<vmem>>
      %dma_start3A_88 = arith.constant 0 : i32
      %dma_start3A_89 = tpu.memref_slice %arg9[%add3A_16, %dma_start3A_88] : memref<10000x128xf32, #tpu.memory_space<vmem_shared>> -> memref<125x128xf32, #tpu.memory_space<vmem_shared>>
      %dma_start3A_90 = arith.constant 0 : i32
      %dma_start3A_91 = tpu.memref_slice %arg9[%add3A_16, %dma_start3A_90] : memref<10000x128xf32, #tpu.memory_space<vmem_shared>> -> memref<125x128xf32, #tpu.memory_space<vmem_shared>>
      %dma_start3A_92 = arith.constant 0 : i32
      %dma_start3A_93 = arith.constant 0 : i32
      %dma_start3A_94 = tpu.memref_slice %arg16[%dma_start3A_92, %dma_start3A_93] : memref<128x128xf32, #tpu.memory_space<vmem>> -> memref<125x128xf32, #tpu.memory_space<vmem>>
      tpu.enqueue_dma source(%dma_start3A_94 : memref<125x128xf32, #tpu.memory_space<vmem>>) target(%dma_start3A_91 : memref<125x128xf32, #tpu.memory_space<vmem_shared>>) target_semaphore(%run_scoped3A : memref<!tpu.dma_semaphore, #tpu.memory_space<semaphore_mem>>)
      %dma_wait3A = arith.constant 0 : i32
      %dma_wait3A_95 = arith.constant 0 : i32
      %dma_wait3A_96 = tpu.memref_slice %arg16[%dma_wait3A, %dma_wait3A_95] : memref<128x128xf32, #tpu.memory_space<vmem>> -> memref<125x128xf32, #tpu.memory_space<vmem>>
      %dma_wait3A_97 = arith.constant 0 : i32
      %dma_wait3A_98 = tpu.memref_slice %arg9[%add3A_16, %dma_wait3A_97] : memref<10000x128xf32, #tpu.memory_space<vmem_shared>> -> memref<125x128xf32, #tpu.memory_space<vmem_shared>>
      %dma_wait3A_99 = arith.constant 0 : i32
      %dma_wait3A_100 = tpu.memref_slice %arg9[%add3A_16, %dma_wait3A_99] : memref<10000x128xf32, #tpu.memory_space<vmem_shared>> -> memref<125x128xf32, #tpu.memory_space<vmem_shared>>
      %dma_wait3A_101 = arith.constant 0 : i32
      %dma_wait3A_102 = arith.constant 0 : i32
      %dma_wait3A_103 = tpu.memref_slice %arg16[%dma_wait3A_101, %dma_wait3A_102] : memref<128x128xf32, #tpu.memory_space<vmem>> -> memref<125x128xf32, #tpu.memory_space<vmem>>
      tpu.wait_dma2 semaphore(%run_scoped3A : memref<!tpu.dma_semaphore, #tpu.memory_space<semaphore_mem>>) src(%dma_wait3A_103 : memref<125x128xf32, #tpu.memory_space<vmem>>) dst(%dma_wait3A_100 : memref<125x128xf32, #tpu.memory_space<vmem_shared>>)
      tpu.yield
    }) : () -> ()
    %mul3A_17 = arith.constant 625 : i32
    %mul3A_18 = arith.muli %arg1, %mul3A_17 : i32
    %add3A_19 = arith.constant 0 : i32
    %add3A_20 = arith.addi %mul3A_18, %add3A_19 : i32
    "tpu.region"() ({
      %run_scoped3A = tpu.sem_alloc : memref<!tpu.dma_semaphore, #tpu.memory_space<semaphore_mem>>
      %dma_start3A = arith.constant 0 : i32
      %dma_start3A_86 = arith.constant 0 : i32
      %dma_start3A_87 = tpu.memref_slice %arg14[%dma_start3A, %dma_start3A_86] : memref<128x16xf32, #tpu.memory_space<vmem>> -> memref<125x16xf32, #tpu.memory_space<vmem>>
      %dma_start3A_88 = arith.constant 0 : i32
      %dma_start3A_89 = tpu.memref_slice %arg10[%add3A_20, %dma_start3A_88] : memref<10000x16xf32, #tpu.memory_space<vmem_shared>> -> memref<125x16xf32, #tpu.memory_space<vmem_shared>>
      %dma_start3A_90 = arith.constant 0 : i32
      %dma_start3A_91 = tpu.memref_slice %arg10[%add3A_20, %dma_start3A_90] : memref<10000x16xf32, #tpu.memory_space<vmem_shared>> -> memref<125x16xf32, #tpu.memory_space<vmem_shared>>
      %dma_start3A_92 = arith.constant 0 : i32
      %dma_start3A_93 = arith.constant 0 : i32
      %dma_start3A_94 = tpu.memref_slice %arg14[%dma_start3A_92, %dma_start3A_93] : memref<128x16xf32, #tpu.memory_space<vmem>> -> memref<125x16xf32, #tpu.memory_space<vmem>>
      tpu.enqueue_dma source(%dma_start3A_94 : memref<125x16xf32, #tpu.memory_space<vmem>>) target(%dma_start3A_91 : memref<125x16xf32, #tpu.memory_space<vmem_shared>>) target_semaphore(%run_scoped3A : memref<!tpu.dma_semaphore, #tpu.memory_space<semaphore_mem>>)
      %dma_wait3A = arith.constant 0 : i32
      %dma_wait3A_95 = arith.constant 0 : i32
      %dma_wait3A_96 = tpu.memref_slice %arg14[%dma_wait3A, %dma_wait3A_95] : memref<128x16xf32, #tpu.memory_space<vmem>> -> memref<125x16xf32, #tpu.memory_space<vmem>>
      %dma_wait3A_97 = arith.constant 0 : i32
      %dma_wait3A_98 = tpu.memref_slice %arg10[%add3A_20, %dma_wait3A_97] : memref<10000x16xf32, #tpu.memory_space<vmem_shared>> -> memref<125x16xf32, #tpu.memory_space<vmem_shared>>
      %dma_wait3A_99 = arith.constant 0 : i32
      %dma_wait3A_100 = tpu.memref_slice %arg10[%add3A_20, %dma_wait3A_99] : memref<10000x16xf32, #tpu.memory_space<vmem_shared>> -> memref<125x16xf32, #tpu.memory_space<vmem_shared>>
      %dma_wait3A_101 = arith.constant 0 : i32
      %dma_wait3A_102 = arith.constant 0 : i32
      %dma_wait3A_103 = tpu.memref_slice %arg14[%dma_wait3A_101, %dma_wait3A_102] : memref<128x16xf32, #tpu.memory_space<vmem>> -> memref<125x16xf32, #tpu.memory_space<vmem>>
      tpu.wait_dma2 semaphore(%run_scoped3A : memref<!tpu.dma_semaphore, #tpu.memory_space<semaphore_mem>>) src(%dma_wait3A_103 : memref<125x16xf32, #tpu.memory_space<vmem>>) dst(%dma_wait3A_100 : memref<125x16xf32, #tpu.memory_space<vmem_shared>>)
      tpu.yield
    }) : () -> ()
    %mul3A_21 = arith.constant 625 : i32
    %mul3A_22 = arith.muli %arg1, %mul3A_21 : i32
    %add3A_23 = arith.constant 125 : i32
    %add3A_24 = arith.addi %mul3A_22, %add3A_23 : i32
    "tpu.region"() ({
      %run_scoped3A = tpu.sem_alloc : memref<!tpu.dma_semaphore, #tpu.memory_space<semaphore_mem>>
      %dma_start3A = arith.constant 0 : i32
      %dma_start3A_86 = arith.constant 0 : i32
      %dma_start3A_87 = tpu.memref_slice %arg16[%dma_start3A, %dma_start3A_86] : memref<128x128xf32, #tpu.memory_space<vmem>> -> memref<125x128xf32, #tpu.memory_space<vmem>>
      %dma_start3A_88 = arith.constant 0 : i32
      %dma_start3A_89 = tpu.memref_slice %arg9[%add3A_24, %dma_start3A_88] : memref<10000x128xf32, #tpu.memory_space<vmem_shared>> -> memref<125x128xf32, #tpu.memory_space<vmem_shared>>
      %dma_start3A_90 = arith.constant 0 : i32
      %dma_start3A_91 = tpu.memref_slice %arg9[%add3A_24, %dma_start3A_90] : memref<10000x128xf32, #tpu.memory_space<vmem_shared>> -> memref<125x128xf32, #tpu.memory_space<vmem_shared>>
      %dma_start3A_92 = arith.constant 0 : i32
      %dma_start3A_93 = arith.constant 0 : i32
      %dma_start3A_94 = tpu.memref_slice %arg16[%dma_start3A_92, %dma_start3A_93] : memref<128x128xf32, #tpu.memory_space<vmem>> -> memref<125x128xf32, #tpu.memory_space<vmem>>
      tpu.enqueue_dma source(%dma_start3A_94 : memref<125x128xf32, #tpu.memory_space<vmem>>) target(%dma_start3A_91 : memref<125x128xf32, #tpu.memory_space<vmem_shared>>) target_semaphore(%run_scoped3A : memref<!tpu.dma_semaphore, #tpu.memory_space<semaphore_mem>>)
      %dma_wait3A = arith.constant 0 : i32
      %dma_wait3A_95 = arith.constant 0 : i32
      %dma_wait3A_96 = tpu.memref_slice %arg16[%dma_wait3A, %dma_wait3A_95] : memref<128x128xf32, #tpu.memory_space<vmem>> -> memref<125x128xf32, #tpu.memory_space<vmem>>
      %dma_wait3A_97 = arith.constant 0 : i32
      %dma_wait3A_98 = tpu.memref_slice %arg9[%add3A_24, %dma_wait3A_97] : memref<10000x128xf32, #tpu.memory_space<vmem_shared>> -> memref<125x128xf32, #tpu.memory_space<vmem_shared>>
      %dma_wait3A_99 = arith.constant 0 : i32
      %dma_wait3A_100 = tpu.memref_slice %arg9[%add3A_24, %dma_wait3A_99] : memref<10000x128xf32, #tpu.memory_space<vmem_shared>> -> memref<125x128xf32, #tpu.memory_space<vmem_shared>>
      %dma_wait3A_101 = arith.constant 0 : i32
      %dma_wait3A_102 = arith.constant 0 : i32
      %dma_wait3A_103 = tpu.memref_slice %arg16[%dma_wait3A_101, %dma_wait3A_102] : memref<128x128xf32, #tpu.memory_space<vmem>> -> memref<125x128xf32, #tpu.memory_space<vmem>>
      tpu.wait_dma2 semaphore(%run_scoped3A : memref<!tpu.dma_semaphore, #tpu.memory_space<semaphore_mem>>) src(%dma_wait3A_103 : memref<125x128xf32, #tpu.memory_space<vmem>>) dst(%dma_wait3A_100 : memref<125x128xf32, #tpu.memory_space<vmem_shared>>)
      tpu.yield
    }) : () -> ()
    %mul3A_25 = arith.constant 625 : i32
    %mul3A_26 = arith.muli %arg1, %mul3A_25 : i32
    %add3A_27 = arith.constant 125 : i32
    %add3A_28 = arith.addi %mul3A_26, %add3A_27 : i32
    "tpu.region"() ({
      %run_scoped3A = tpu.sem_alloc : memref<!tpu.dma_semaphore, #tpu.memory_space<semaphore_mem>>
      %dma_start3A = arith.constant 0 : i32
      %dma_start3A_86 = arith.constant 0 : i32
      %dma_start3A_87 = tpu.memref_slice %arg14[%dma_start3A, %dma_start3A_86] : memref<128x16xf32, #tpu.memory_space<vmem>> -> memref<125x16xf32, #tpu.memory_space<vmem>>
      %dma_start3A_88 = arith.constant 0 : i32
      %dma_start3A_89 = tpu.memref_slice %arg10[%add3A_28, %dma_start3A_88] : memref<10000x16xf32, #tpu.memory_space<vmem_shared>> -> memref<125x16xf32, #tpu.memory_space<vmem_shared>>
      %dma_start3A_90 = arith.constant 0 : i32
      %dma_start3A_91 = tpu.memref_slice %arg10[%add3A_28, %dma_start3A_90] : memref<10000x16xf32, #tpu.memory_space<vmem_shared>> -> memref<125x16xf32, #tpu.memory_space<vmem_shared>>
      %dma_start3A_92 = arith.constant 0 : i32
      %dma_start3A_93 = arith.constant 0 : i32
      %dma_start3A_94 = tpu.memref_slice %arg14[%dma_start3A_92, %dma_start3A_93] : memref<128x16xf32, #tpu.memory_space<vmem>> -> memref<125x16xf32, #tpu.memory_space<vmem>>
      tpu.enqueue_dma source(%dma_start3A_94 : memref<125x16xf32, #tpu.memory_space<vmem>>) target(%dma_start3A_91 : memref<125x16xf32, #tpu.memory_space<vmem_shared>>) target_semaphore(%run_scoped3A : memref<!tpu.dma_semaphore, #tpu.memory_space<semaphore_mem>>)
      %dma_wait3A = arith.constant 0 : i32
      %dma_wait3A_95 = arith.constant 0 : i32
      %dma_wait3A_96 = tpu.memref_slice %arg14[%dma_wait3A, %dma_wait3A_95] : memref<128x16xf32, #tpu.memory_space<vmem>> -> memref<125x16xf32, #tpu.memory_space<vmem>>
      %dma_wait3A_97 = arith.constant 0 : i32
      %dma_wait3A_98 = tpu.memref_slice %arg10[%add3A_28, %dma_wait3A_97] : memref<10000x16xf32, #tpu.memory_space<vmem_shared>> -> memref<125x16xf32, #tpu.memory_space<vmem_shared>>
      %dma_wait3A_99 = arith.constant 0 : i32
      %dma_wait3A_100 = tpu.memref_slice %arg10[%add3A_28, %dma_wait3A_99] : memref<10000x16xf32, #tpu.memory_space<vmem_shared>> -> memref<125x16xf32, #tpu.memory_space<vmem_shared>>
      %dma_wait3A_101 = arith.constant 0 : i32
      %dma_wait3A_102 = arith.constant 0 : i32
      %dma_wait3A_103 = tpu.memref_slice %arg14[%dma_wait3A_101, %dma_wait3A_102] : memref<128x16xf32, #tpu.memory_space<vmem>> -> memref<125x16xf32, #tpu.memory_space<vmem>>
      tpu.wait_dma2 semaphore(%run_scoped3A : memref<!tpu.dma_semaphore, #tpu.memory_space<semaphore_mem>>) src(%dma_wait3A_103 : memref<125x16xf32, #tpu.memory_space<vmem>>) dst(%dma_wait3A_100 : memref<125x16xf32, #tpu.memory_space<vmem_shared>>)
      tpu.yield
    }) : () -> ()
    %mul3A_29 = arith.constant 625 : i32
    %mul3A_30 = arith.muli %arg1, %mul3A_29 : i32
    %add3A_31 = arith.constant 250 : i32
    %add3A_32 = arith.addi %mul3A_30, %add3A_31 : i32
    "tpu.region"() ({
      %run_scoped3A = tpu.sem_alloc : memref<!tpu.dma_semaphore, #tpu.memory_space<semaphore_mem>>
      %dma_start3A = arith.constant 0 : i32
      %dma_start3A_86 = arith.constant 0 : i32
      %dma_start3A_87 = tpu.memref_slice %arg16[%dma_start3A, %dma_start3A_86] : memref<128x128xf32, #tpu.memory_space<vmem>> -> memref<125x128xf32, #tpu.memory_space<vmem>>
      %dma_start3A_88 = arith.constant 0 : i32
      %dma_start3A_89 = tpu.memref_slice %arg9[%add3A_32, %dma_start3A_88] : memref<10000x128xf32, #tpu.memory_space<vmem_shared>> -> memref<125x128xf32, #tpu.memory_space<vmem_shared>>
      %dma_start3A_90 = arith.constant 0 : i32
      %dma_start3A_91 = tpu.memref_slice %arg9[%add3A_32, %dma_start3A_90] : memref<10000x128xf32, #tpu.memory_space<vmem_shared>> -> memref<125x128xf32, #tpu.memory_space<vmem_shared>>
      %dma_start3A_92 = arith.constant 0 : i32
      %dma_start3A_93 = arith.constant 0 : i32
      %dma_start3A_94 = tpu.memref_slice %arg16[%dma_start3A_92, %dma_start3A_93] : memref<128x128xf32, #tpu.memory_space<vmem>> -> memref<125x128xf32, #tpu.memory_space<vmem>>
      tpu.enqueue_dma source(%dma_start3A_94 : memref<125x128xf32, #tpu.memory_space<vmem>>) target(%dma_start3A_91 : memref<125x128xf32, #tpu.memory_space<vmem_shared>>) target_semaphore(%run_scoped3A : memref<!tpu.dma_semaphore, #tpu.memory_space<semaphore_mem>>)
      %dma_wait3A = arith.constant 0 : i32
      %dma_wait3A_95 = arith.constant 0 : i32
      %dma_wait3A_96 = tpu.memref_slice %arg16[%dma_wait3A, %dma_wait3A_95] : memref<128x128xf32, #tpu.memory_space<vmem>> -> memref<125x128xf32, #tpu.memory_space<vmem>>
      %dma_wait3A_97 = arith.constant 0 : i32
      %dma_wait3A_98 = tpu.memref_slice %arg9[%add3A_32, %dma_wait3A_97] : memref<10000x128xf32, #tpu.memory_space<vmem_shared>> -> memref<125x128xf32, #tpu.memory_space<vmem_shared>>
      %dma_wait3A_99 = arith.constant 0 : i32
      %dma_wait3A_100 = tpu.memref_slice %arg9[%add3A_32, %dma_wait3A_99] : memref<10000x128xf32, #tpu.memory_space<vmem_shared>> -> memref<125x128xf32, #tpu.memory_space<vmem_shared>>
      %dma_wait3A_101 = arith.constant 0 : i32
      %dma_wait3A_102 = arith.constant 0 : i32
      %dma_wait3A_103 = tpu.memref_slice %arg16[%dma_wait3A_101, %dma_wait3A_102] : memref<128x128xf32, #tpu.memory_space<vmem>> -> memref<125x128xf32, #tpu.memory_space<vmem>>
      tpu.wait_dma2 semaphore(%run_scoped3A : memref<!tpu.dma_semaphore, #tpu.memory_space<semaphore_mem>>) src(%dma_wait3A_103 : memref<125x128xf32, #tpu.memory_space<vmem>>) dst(%dma_wait3A_100 : memref<125x128xf32, #tpu.memory_space<vmem_shared>>)
      tpu.yield
    }) : () -> ()
    %mul3A_33 = arith.constant 625 : i32
    %mul3A_34 = arith.muli %arg1, %mul3A_33 : i32
    %add3A_35 = arith.constant 250 : i32
    %add3A_36 = arith.addi %mul3A_34, %add3A_35 : i32
    "tpu.region"() ({
      %run_scoped3A = tpu.sem_alloc : memref<!tpu.dma_semaphore, #tpu.memory_space<semaphore_mem>>
      %dma_start3A = arith.constant 0 : i32
      %dma_start3A_86 = arith.constant 0 : i32
      %dma_start3A_87 = tpu.memref_slice %arg14[%dma_start3A, %dma_start3A_86] : memref<128x16xf32, #tpu.memory_space<vmem>> -> memref<125x16xf32, #tpu.memory_space<vmem>>
      %dma_start3A_88 = arith.constant 0 : i32
      %dma_start3A_89 = tpu.memref_slice %arg10[%add3A_36, %dma_start3A_88] : memref<10000x16xf32, #tpu.memory_space<vmem_shared>> -> memref<125x16xf32, #tpu.memory_space<vmem_shared>>
      %dma_start3A_90 = arith.constant 0 : i32
      %dma_start3A_91 = tpu.memref_slice %arg10[%add3A_36, %dma_start3A_90] : memref<10000x16xf32, #tpu.memory_space<vmem_shared>> -> memref<125x16xf32, #tpu.memory_space<vmem_shared>>
      %dma_start3A_92 = arith.constant 0 : i32
      %dma_start3A_93 = arith.constant 0 : i32
      %dma_start3A_94 = tpu.memref_slice %arg14[%dma_start3A_92, %dma_start3A_93] : memref<128x16xf32, #tpu.memory_space<vmem>> -> memref<125x16xf32, #tpu.memory_space<vmem>>
      tpu.enqueue_dma source(%dma_start3A_94 : memref<125x16xf32, #tpu.memory_space<vmem>>) target(%dma_start3A_91 : memref<125x16xf32, #tpu.memory_space<vmem_shared>>) target_semaphore(%run_scoped3A : memref<!tpu.dma_semaphore, #tpu.memory_space<semaphore_mem>>)
      %dma_wait3A = arith.constant 0 : i32
      %dma_wait3A_95 = arith.constant 0 : i32
      %dma_wait3A_96 = tpu.memref_slice %arg14[%dma_wait3A, %dma_wait3A_95] : memref<128x16xf32, #tpu.memory_space<vmem>> -> memref<125x16xf32, #tpu.memory_space<vmem>>
      %dma_wait3A_97 = arith.constant 0 : i32
      %dma_wait3A_98 = tpu.memref_slice %arg10[%add3A_36, %dma_wait3A_97] : memref<10000x16xf32, #tpu.memory_space<vmem_shared>> -> memref<125x16xf32, #tpu.memory_space<vmem_shared>>
      %dma_wait3A_99 = arith.constant 0 : i32
      %dma_wait3A_100 = tpu.memref_slice %arg10[%add3A_36, %dma_wait3A_99] : memref<10000x16xf32, #tpu.memory_space<vmem_shared>> -> memref<125x16xf32, #tpu.memory_space<vmem_shared>>
      %dma_wait3A_101 = arith.constant 0 : i32
      %dma_wait3A_102 = arith.constant 0 : i32
      %dma_wait3A_103 = tpu.memref_slice %arg14[%dma_wait3A_101, %dma_wait3A_102] : memref<128x16xf32, #tpu.memory_space<vmem>> -> memref<125x16xf32, #tpu.memory_space<vmem>>
      tpu.wait_dma2 semaphore(%run_scoped3A : memref<!tpu.dma_semaphore, #tpu.memory_space<semaphore_mem>>) src(%dma_wait3A_103 : memref<125x16xf32, #tpu.memory_space<vmem>>) dst(%dma_wait3A_100 : memref<125x16xf32, #tpu.memory_space<vmem_shared>>)
      tpu.yield
    }) : () -> ()
    %mul3A_37 = arith.constant 625 : i32
    %mul3A_38 = arith.muli %arg1, %mul3A_37 : i32
    %add3A_39 = arith.constant 375 : i32
    %add3A_40 = arith.addi %mul3A_38, %add3A_39 : i32
    "tpu.region"() ({
      %run_scoped3A = tpu.sem_alloc : memref<!tpu.dma_semaphore, #tpu.memory_space<semaphore_mem>>
      %dma_start3A = arith.constant 0 : i32
      %dma_start3A_86 = arith.constant 0 : i32
      %dma_start3A_87 = tpu.memref_slice %arg16[%dma_start3A, %dma_start3A_86] : memref<128x128xf32, #tpu.memory_space<vmem>> -> memref<125x128xf32, #tpu.memory_space<vmem>>
      %dma_start3A_88 = arith.constant 0 : i32
      %dma_start3A_89 = tpu.memref_slice %arg9[%add3A_40, %dma_start3A_88] : memref<10000x128xf32, #tpu.memory_space<vmem_shared>> -> memref<125x128xf32, #tpu.memory_space<vmem_shared>>
      %dma_start3A_90 = arith.constant 0 : i32
      %dma_start3A_91 = tpu.memref_slice %arg9[%add3A_40, %dma_start3A_90] : memref<10000x128xf32, #tpu.memory_space<vmem_shared>> -> memref<125x128xf32, #tpu.memory_space<vmem_shared>>
      %dma_start3A_92 = arith.constant 0 : i32
      %dma_start3A_93 = arith.constant 0 : i32
      %dma_start3A_94 = tpu.memref_slice %arg16[%dma_start3A_92, %dma_start3A_93] : memref<128x128xf32, #tpu.memory_space<vmem>> -> memref<125x128xf32, #tpu.memory_space<vmem>>
      tpu.enqueue_dma source(%dma_start3A_94 : memref<125x128xf32, #tpu.memory_space<vmem>>) target(%dma_start3A_91 : memref<125x128xf32, #tpu.memory_space<vmem_shared>>) target_semaphore(%run_scoped3A : memref<!tpu.dma_semaphore, #tpu.memory_space<semaphore_mem>>)
      %dma_wait3A = arith.constant 0 : i32
      %dma_wait3A_95 = arith.constant 0 : i32
      %dma_wait3A_96 = tpu.memref_slice %arg16[%dma_wait3A, %dma_wait3A_95] : memref<128x128xf32, #tpu.memory_space<vmem>> -> memref<125x128xf32, #tpu.memory_space<vmem>>
      %dma_wait3A_97 = arith.constant 0 : i32
      %dma_wait3A_98 = tpu.memref_slice %arg9[%add3A_40, %dma_wait3A_97] : memref<10000x128xf32, #tpu.memory_space<vmem_shared>> -> memref<125x128xf32, #tpu.memory_space<vmem_shared>>
      %dma_wait3A_99 = arith.constant 0 : i32
      %dma_wait3A_100 = tpu.memref_slice %arg9[%add3A_40, %dma_wait3A_99] : memref<10000x128xf32, #tpu.memory_space<vmem_shared>> -> memref<125x128xf32, #tpu.memory_space<vmem_shared>>
      %dma_wait3A_101 = arith.constant 0 : i32
      %dma_wait3A_102 = arith.constant 0 : i32
      %dma_wait3A_103 = tpu.memref_slice %arg16[%dma_wait3A_101, %dma_wait3A_102] : memref<128x128xf32, #tpu.memory_space<vmem>> -> memref<125x128xf32, #tpu.memory_space<vmem>>
      tpu.wait_dma2 semaphore(%run_scoped3A : memref<!tpu.dma_semaphore, #tpu.memory_space<semaphore_mem>>) src(%dma_wait3A_103 : memref<125x128xf32, #tpu.memory_space<vmem>>) dst(%dma_wait3A_100 : memref<125x128xf32, #tpu.memory_space<vmem_shared>>)
      tpu.yield
    }) : () -> ()
    %mul3A_41 = arith.constant 625 : i32
    %mul3A_42 = arith.muli %arg1, %mul3A_41 : i32
    %add3A_43 = arith.constant 375 : i32
    %add3A_44 = arith.addi %mul3A_42, %add3A_43 : i32
    "tpu.region"() ({
      %run_scoped3A = tpu.sem_alloc : memref<!tpu.dma_semaphore, #tpu.memory_space<semaphore_mem>>
      %dma_start3A = arith.constant 0 : i32
      %dma_start3A_86 = arith.constant 0 : i32
      %dma_start3A_87 = tpu.memref_slice %arg14[%dma_start3A, %dma_start3A_86] : memref<128x16xf32, #tpu.memory_space<vmem>> -> memref<125x16xf32, #tpu.memory_space<vmem>>
      %dma_start3A_88 = arith.constant 0 : i32
      %dma_start3A_89 = tpu.memref_slice %arg10[%add3A_44, %dma_start3A_88] : memref<10000x16xf32, #tpu.memory_space<vmem_shared>> -> memref<125x16xf32, #tpu.memory_space<vmem_shared>>
      %dma_start3A_90 = arith.constant 0 : i32
      %dma_start3A_91 = tpu.memref_slice %arg10[%add3A_44, %dma_start3A_90] : memref<10000x16xf32, #tpu.memory_space<vmem_shared>> -> memref<125x16xf32, #tpu.memory_space<vmem_shared>>
      %dma_start3A_92 = arith.constant 0 : i32
      %dma_start3A_93 = arith.constant 0 : i32
      %dma_start3A_94 = tpu.memref_slice %arg14[%dma_start3A_92, %dma_start3A_93] : memref<128x16xf32, #tpu.memory_space<vmem>> -> memref<125x16xf32, #tpu.memory_space<vmem>>
      tpu.enqueue_dma source(%dma_start3A_94 : memref<125x16xf32, #tpu.memory_space<vmem>>) target(%dma_start3A_91 : memref<125x16xf32, #tpu.memory_space<vmem_shared>>) target_semaphore(%run_scoped3A : memref<!tpu.dma_semaphore, #tpu.memory_space<semaphore_mem>>)
      %dma_wait3A = arith.constant 0 : i32
      %dma_wait3A_95 = arith.constant 0 : i32
      %dma_wait3A_96 = tpu.memref_slice %arg14[%dma_wait3A, %dma_wait3A_95] : memref<128x16xf32, #tpu.memory_space<vmem>> -> memref<125x16xf32, #tpu.memory_space<vmem>>
      %dma_wait3A_97 = arith.constant 0 : i32
      %dma_wait3A_98 = tpu.memref_slice %arg10[%add3A_44, %dma_wait3A_97] : memref<10000x16xf32, #tpu.memory_space<vmem_shared>> -> memref<125x16xf32, #tpu.memory_space<vmem_shared>>
      %dma_wait3A_99 = arith.constant 0 : i32
      %dma_wait3A_100 = tpu.memref_slice %arg10[%add3A_44, %dma_wait3A_99] : memref<10000x16xf32, #tpu.memory_space<vmem_shared>> -> memref<125x16xf32, #tpu.memory_space<vmem_shared>>
      %dma_wait3A_101 = arith.constant 0 : i32
      %dma_wait3A_102 = arith.constant 0 : i32
      %dma_wait3A_103 = tpu.memref_slice %arg14[%dma_wait3A_101, %dma_wait3A_102] : memref<128x16xf32, #tpu.memory_space<vmem>> -> memref<125x16xf32, #tpu.memory_space<vmem>>
      tpu.wait_dma2 semaphore(%run_scoped3A : memref<!tpu.dma_semaphore, #tpu.memory_space<semaphore_mem>>) src(%dma_wait3A_103 : memref<125x16xf32, #tpu.memory_space<vmem>>) dst(%dma_wait3A_100 : memref<125x16xf32, #tpu.memory_space<vmem_shared>>)
      tpu.yield
    }) : () -> ()
    %mul3A_45 = arith.constant 625 : i32
    %mul3A_46 = arith.muli %arg1, %mul3A_45 : i32
    %add3A_47 = arith.constant 500 : i32
    %add3A_48 = arith.addi %mul3A_46, %add3A_47 : i32
    "tpu.region"() ({
      %run_scoped3A = tpu.sem_alloc : memref<!tpu.dma_semaphore, #tpu.memory_space<semaphore_mem>>
      %dma_start3A = arith.constant 0 : i32
      %dma_start3A_86 = arith.constant 0 : i32
      %dma_start3A_87 = tpu.memref_slice %arg16[%dma_start3A, %dma_start3A_86] : memref<128x128xf32, #tpu.memory_space<vmem>> -> memref<125x128xf32, #tpu.memory_space<vmem>>
      %dma_start3A_88 = arith.constant 0 : i32
      %dma_start3A_89 = tpu.memref_slice %arg9[%add3A_48, %dma_start3A_88] : memref<10000x128xf32, #tpu.memory_space<vmem_shared>> -> memref<125x128xf32, #tpu.memory_space<vmem_shared>>
      %dma_start3A_90 = arith.constant 0 : i32
      %dma_start3A_91 = tpu.memref_slice %arg9[%add3A_48, %dma_start3A_90] : memref<10000x128xf32, #tpu.memory_space<vmem_shared>> -> memref<125x128xf32, #tpu.memory_space<vmem_shared>>
      %dma_start3A_92 = arith.constant 0 : i32
      %dma_start3A_93 = arith.constant 0 : i32
      %dma_start3A_94 = tpu.memref_slice %arg16[%dma_start3A_92, %dma_start3A_93] : memref<128x128xf32, #tpu.memory_space<vmem>> -> memref<125x128xf32, #tpu.memory_space<vmem>>
      tpu.enqueue_dma source(%dma_start3A_94 : memref<125x128xf32, #tpu.memory_space<vmem>>) target(%dma_start3A_91 : memref<125x128xf32, #tpu.memory_space<vmem_shared>>) target_semaphore(%run_scoped3A : memref<!tpu.dma_semaphore, #tpu.memory_space<semaphore_mem>>)
      %dma_wait3A = arith.constant 0 : i32
      %dma_wait3A_95 = arith.constant 0 : i32
      %dma_wait3A_96 = tpu.memref_slice %arg16[%dma_wait3A, %dma_wait3A_95] : memref<128x128xf32, #tpu.memory_space<vmem>> -> memref<125x128xf32, #tpu.memory_space<vmem>>
      %dma_wait3A_97 = arith.constant 0 : i32
      %dma_wait3A_98 = tpu.memref_slice %arg9[%add3A_48, %dma_wait3A_97] : memref<10000x128xf32, #tpu.memory_space<vmem_shared>> -> memref<125x128xf32, #tpu.memory_space<vmem_shared>>
      %dma_wait3A_99 = arith.constant 0 : i32
      %dma_wait3A_100 = tpu.memref_slice %arg9[%add3A_48, %dma_wait3A_99] : memref<10000x128xf32, #tpu.memory_space<vmem_shared>> -> memref<125x128xf32, #tpu.memory_space<vmem_shared>>
      %dma_wait3A_101 = arith.constant 0 : i32
      %dma_wait3A_102 = arith.constant 0 : i32
      %dma_wait3A_103 = tpu.memref_slice %arg16[%dma_wait3A_101, %dma_wait3A_102] : memref<128x128xf32, #tpu.memory_space<vmem>> -> memref<125x128xf32, #tpu.memory_space<vmem>>
      tpu.wait_dma2 semaphore(%run_scoped3A : memref<!tpu.dma_semaphore, #tpu.memory_space<semaphore_mem>>) src(%dma_wait3A_103 : memref<125x128xf32, #tpu.memory_space<vmem>>) dst(%dma_wait3A_100 : memref<125x128xf32, #tpu.memory_space<vmem_shared>>)
      tpu.yield
    }) : () -> ()
    %mul3A_49 = arith.constant 625 : i32
    %mul3A_50 = arith.muli %arg1, %mul3A_49 : i32
    %add3A_51 = arith.constant 500 : i32
    %add3A_52 = arith.addi %mul3A_50, %add3A_51 : i32
    "tpu.region"() ({
      %run_scoped3A = tpu.sem_alloc : memref<!tpu.dma_semaphore, #tpu.memory_space<semaphore_mem>>
      %dma_start3A = arith.constant 0 : i32
      %dma_start3A_86 = arith.constant 0 : i32
      %dma_start3A_87 = tpu.memref_slice %arg14[%dma_start3A, %dma_start3A_86] : memref<128x16xf32, #tpu.memory_space<vmem>> -> memref<125x16xf32, #tpu.memory_space<vmem>>
      %dma_start3A_88 = arith.constant 0 : i32
      %dma_start3A_89 = tpu.memref_slice %arg10[%add3A_52, %dma_start3A_88] : memref<10000x16xf32, #tpu.memory_space<vmem_shared>> -> memref<125x16xf32, #tpu.memory_space<vmem_shared>>
      %dma_start3A_90 = arith.constant 0 : i32
      %dma_start3A_91 = tpu.memref_slice %arg10[%add3A_52, %dma_start3A_90] : memref<10000x16xf32, #tpu.memory_space<vmem_shared>> -> memref<125x16xf32, #tpu.memory_space<vmem_shared>>
      %dma_start3A_92 = arith.constant 0 : i32
      %dma_start3A_93 = arith.constant 0 : i32
      %dma_start3A_94 = tpu.memref_slice %arg14[%dma_start3A_92, %dma_start3A_93] : memref<128x16xf32, #tpu.memory_space<vmem>> -> memref<125x16xf32, #tpu.memory_space<vmem>>
      tpu.enqueue_dma source(%dma_start3A_94 : memref<125x16xf32, #tpu.memory_space<vmem>>) target(%dma_start3A_91 : memref<125x16xf32, #tpu.memory_space<vmem_shared>>) target_semaphore(%run_scoped3A : memref<!tpu.dma_semaphore, #tpu.memory_space<semaphore_mem>>)
      %dma_wait3A = arith.constant 0 : i32
      %dma_wait3A_95 = arith.constant 0 : i32
      %dma_wait3A_96 = tpu.memref_slice %arg14[%dma_wait3A, %dma_wait3A_95] : memref<128x16xf32, #tpu.memory_space<vmem>> -> memref<125x16xf32, #tpu.memory_space<vmem>>
      %dma_wait3A_97 = arith.constant 0 : i32
      %dma_wait3A_98 = tpu.memref_slice %arg10[%add3A_52, %dma_wait3A_97] : memref<10000x16xf32, #tpu.memory_space<vmem_shared>> -> memref<125x16xf32, #tpu.memory_space<vmem_shared>>
      %dma_wait3A_99 = arith.constant 0 : i32
      %dma_wait3A_100 = tpu.memref_slice %arg10[%add3A_52, %dma_wait3A_99] : memref<10000x16xf32, #tpu.memory_space<vmem_shared>> -> memref<125x16xf32, #tpu.memory_space<vmem_shared>>
      %dma_wait3A_101 = arith.constant 0 : i32
      %dma_wait3A_102 = arith.constant 0 : i32
      %dma_wait3A_103 = tpu.memref_slice %arg14[%dma_wait3A_101, %dma_wait3A_102] : memref<128x16xf32, #tpu.memory_space<vmem>> -> memref<125x16xf32, #tpu.memory_space<vmem>>
      tpu.wait_dma2 semaphore(%run_scoped3A : memref<!tpu.dma_semaphore, #tpu.memory_space<semaphore_mem>>) src(%dma_wait3A_103 : memref<125x16xf32, #tpu.memory_space<vmem>>) dst(%dma_wait3A_100 : memref<125x16xf32, #tpu.memory_space<vmem_shared>>)
      tpu.yield
    }) : () -> ()
    %mul3A_53 = arith.constant 624 : i32
    %mul3A_54 = arith.muli %arg1, %mul3A_53 : i32
    %mul3A_55 = arith.constant 624 : i32
    %mul3A_56 = arith.muli %arg1, %mul3A_55 : i32
    "tpu.region"() ({
      %run_scoped3A = tpu.sem_alloc : memref<!tpu.dma_semaphore, #tpu.memory_space<semaphore_mem>>
      %dma_start3A = arith.constant 0 : i32
      %dma_start3A_86 = tpu.memref_slice %arg11[%mul3A_56, %dma_start3A] : memref<10000x16xf32, #tpu.memory_space<vmem_shared>> -> memref<624x16xf32, #tpu.memory_space<vmem_shared>>
      %dma_start3A_87 = arith.constant 0 : i32
      %dma_start3A_88 = tpu.memref_slice %arg2[%mul3A_54, %dma_start3A_87] : memref<10000x16xf32, #tpu.memory_space<hbm>> -> memref<624x16xf32, #tpu.memory_space<hbm>>
      tpu.enqueue_dma source(%dma_start3A_88 : memref<624x16xf32, #tpu.memory_space<hbm>>) target(%dma_start3A_86 : memref<624x16xf32, #tpu.memory_space<vmem_shared>>) target_semaphore(%run_scoped3A : memref<!tpu.dma_semaphore, #tpu.memory_space<semaphore_mem>>)
      %dma_wait3A = arith.constant 0 : i32
      %dma_wait3A_89 = tpu.memref_slice %arg11[%mul3A_56, %dma_wait3A] : memref<10000x16xf32, #tpu.memory_space<vmem_shared>> -> memref<624x16xf32, #tpu.memory_space<vmem_shared>>
      %dma_wait3A_90 = arith.constant 0 : i32
      %dma_wait3A_91 = tpu.memref_slice %arg2[%mul3A_54, %dma_wait3A_90] : memref<10000x16xf32, #tpu.memory_space<hbm>> -> memref<624x16xf32, #tpu.memory_space<hbm>>
      tpu.wait_dma2 semaphore(%run_scoped3A : memref<!tpu.dma_semaphore, #tpu.memory_space<semaphore_mem>>) src(%dma_wait3A_91 : memref<624x16xf32, #tpu.memory_space<hbm>>) dst(%dma_wait3A_89 : memref<624x16xf32, #tpu.memory_space<vmem_shared>>)
      tpu.yield
    }) : () -> ()
    %eq3A = arith.constant 0 : i32
    %eq3A_57 = arith.cmpi eq, %arg1, %eq3A : i32
    %convert_element_type3A_58 = arith.extui %eq3A_57 : i1 to i32
    %cond3A = arith.constant 0 : i32
    %cond3A_59 = arith.cmpi ne, %convert_element_type3A_58, %cond3A : i32
    scf.if %cond3A_59 {
      "tpu.region"() ({
        %run_scoped3A = tpu.sem_alloc : memref<!tpu.dma_semaphore, #tpu.memory_space<semaphore_mem>>
        %dma_start3A = arith.constant 9984 : i32
        %dma_start3A_86 = arith.constant 0 : i32
        %dma_start3A_87 = tpu.memref_slice %arg11[%dma_start3A, %dma_start3A_86] : memref<10000x16xf32, #tpu.memory_space<vmem_shared>> -> memref<16x16xf32, #tpu.memory_space<vmem_shared>>
        %dma_start3A_88 = arith.constant 9984 : i32
        %dma_start3A_89 = arith.constant 0 : i32
        %dma_start3A_90 = tpu.memref_slice %arg2[%dma_start3A_88, %dma_start3A_89] : memref<10000x16xf32, #tpu.memory_space<hbm>> -> memref<16x16xf32, #tpu.memory_space<hbm>>
        tpu.enqueue_dma source(%dma_start3A_90 : memref<16x16xf32, #tpu.memory_space<hbm>>) target(%dma_start3A_87 : memref<16x16xf32, #tpu.memory_space<vmem_shared>>) target_semaphore(%run_scoped3A : memref<!tpu.dma_semaphore, #tpu.memory_space<semaphore_mem>>)
        %dma_wait3A = arith.constant 9984 : i32
        %dma_wait3A_91 = arith.constant 0 : i32
        %dma_wait3A_92 = tpu.memref_slice %arg11[%dma_wait3A, %dma_wait3A_91] : memref<10000x16xf32, #tpu.memory_space<vmem_shared>> -> memref<16x16xf32, #tpu.memory_space<vmem_shared>>
        %dma_wait3A_93 = arith.constant 9984 : i32
        %dma_wait3A_94 = arith.constant 0 : i32
        %dma_wait3A_95 = tpu.memref_slice %arg2[%dma_wait3A_93, %dma_wait3A_94] : memref<10000x16xf32, #tpu.memory_space<hbm>> -> memref<16x16xf32, #tpu.memory_space<hbm>>
        tpu.wait_dma2 semaphore(%run_scoped3A : memref<!tpu.dma_semaphore, #tpu.memory_space<semaphore_mem>>) src(%dma_wait3A_95 : memref<16x16xf32, #tpu.memory_space<hbm>>) dst(%dma_wait3A_92 : memref<16x16xf32, #tpu.memory_space<vmem_shared>>)
        tpu.yield
      }) : () -> ()
    } else {
    }
    "tpu.region"() ({
      %run_scoped3A = tpu.sem_alloc : memref<!tpu.dma_semaphore, #tpu.memory_space<semaphore_mem>>
      %dma_start3A = arith.constant 0 : i32
      %dma_start3A_86 = tpu.memref_slice %arg6[%dma_start3A] : memref<128xf32, #tpu.memory_space<hbm>> -> memref<16xf32, #tpu.memory_space<hbm>>
      %dma_start3A_87 = arith.constant 0 : i32
      %dma_start3A_88 = tpu.memref_slice %arg6[%dma_start3A_87] : memref<128xf32, #tpu.memory_space<hbm>> -> memref<16xf32, #tpu.memory_space<hbm>>
      tpu.enqueue_dma source(%dma_start3A_88 : memref<16xf32, #tpu.memory_space<hbm>>) target(%arg17 : memref<16xf32, #tpu.memory_space<vmem>>) target_semaphore(%run_scoped3A : memref<!tpu.dma_semaphore, #tpu.memory_space<semaphore_mem>>)
      %dma_wait3A = arith.constant 0 : i32
      %dma_wait3A_89 = tpu.memref_slice %arg6[%dma_wait3A] : memref<128xf32, #tpu.memory_space<hbm>> -> memref<16xf32, #tpu.memory_space<hbm>>
      %dma_wait3A_90 = arith.constant 0 : i32
      %dma_wait3A_91 = tpu.memref_slice %arg6[%dma_wait3A_90] : memref<128xf32, #tpu.memory_space<hbm>> -> memref<16xf32, #tpu.memory_space<hbm>>
      tpu.wait_dma2 semaphore(%run_scoped3A : memref<!tpu.dma_semaphore, #tpu.memory_space<semaphore_mem>>) src(%dma_wait3A_91 : memref<16xf32, #tpu.memory_space<hbm>>) dst(%arg17 : memref<16xf32, #tpu.memory_space<vmem>>)
      tpu.yield
    }) : () -> ()
    %barrier3A = arith.constant 0 : index
    tpu.barrier barrier_id(%barrier3A)
    %get3A = arith.constant 0 : index
    %get3A_60 = tpu.vector_load %arg17[%get3A] {strides = array<i32>} : memref<16xf32, #tpu.memory_space<vmem>>, vector<16xf32>,
    %get3A_61 = vector.shape_cast %get3A_60 : vector<16xf32> to vector<16xf32>
    %scan3A = arith.constant 0 : i32
    %scan3A_62 = arith.constant 0 : i32
    %scan3A_63 = arith.constant 22 : i32
    %scan3A_64 = arith.addi %scan3A_62, %scan3A_63 : i32
    %scan3A_65 = arith.constant 1 : i32
    %scan3A_66 = scf.for %scan3A_86 = %scan3A_62 to %scan3A_64 step %scan3A_65 iter_args(%scan3A_87 = %scan3A) -> (i32)  : i32 {
      %mul3A_88 = arith.constant 176 : i32
      %mul3A_89 = arith.muli %arg1, %mul3A_88 : i32
      %mul3A_90 = arith.constant 8 : i32
      %mul3A_91 = arith.muli %scan3A_86, %mul3A_90 : i32
      %add3A_92 = arith.addi %mul3A_89, %mul3A_91 : i32
      %mul3A_93 = arith.constant 128 : i32
      %mul3A_94 = arith.muli %add3A_92, %mul3A_93 : i32
      %lt3A = arith.constant 330000 : i32
      %lt3A_95 = arith.cmpi slt, %mul3A_94, %lt3A : i32
      %convert_element_type3A_96 = arith.extui %lt3A_95 : i1 to i32
      %cond3A_97 = arith.constant 0 : i32
      %cond3A_98 = arith.cmpi ne, %convert_element_type3A_96, %cond3A_97 : i32
      scf.if %cond3A_98 {
        %dma_start3A = arith.constant 0 : i32
        %dma_start3A_100 = tpu.memref_slice %arg4[%add3A_92, %dma_start3A] : memref<2816x128xi32, #tpu.memory_space<hbm>> -> memref<8x128xi32, #tpu.memory_space<hbm>>
        %dma_start3A_101 = arith.constant 0 : i32
        %dma_start3A_102 = tpu.memref_slice %arg4[%add3A_92, %dma_start3A_101] : memref<2816x128xi32, #tpu.memory_space<hbm>> -> memref<8x128xi32, #tpu.memory_space<hbm>>
        tpu.enqueue_dma source(%dma_start3A_102 : memref<8x128xi32, #tpu.memory_space<hbm>>) target(%arg12 : memref<8x128xi32, #tpu.memory_space<vmem>>) target_semaphore(%arg18 : memref<!tpu.dma_semaphore, #tpu.memory_space<semaphore_mem>>)
        %dma_start3A_103 = arith.constant 0 : i32
        %dma_start3A_104 = tpu.memref_slice %arg5[%add3A_92, %dma_start3A_103] : memref<2816x128xi32, #tpu.memory_space<hbm>> -> memref<8x128xi32, #tpu.memory_space<hbm>>
        %dma_start3A_105 = arith.constant 0 : i32
        %dma_start3A_106 = tpu.memref_slice %arg5[%add3A_92, %dma_start3A_105] : memref<2816x128xi32, #tpu.memory_space<hbm>> -> memref<8x128xi32, #tpu.memory_space<hbm>>
        tpu.enqueue_dma source(%dma_start3A_106 : memref<8x128xi32, #tpu.memory_space<hbm>>) target(%arg13 : memref<8x128xi32, #tpu.memory_space<vmem>>) target_semaphore(%arg19 : memref<!tpu.dma_semaphore, #tpu.memory_space<semaphore_mem>>)
        %dma_wait3A = arith.constant 0 : i32
        %dma_wait3A_107 = tpu.memref_slice %arg4[%add3A_92, %dma_wait3A] : memref<2816x128xi32, #tpu.memory_space<hbm>> -> memref<8x128xi32, #tpu.memory_space<hbm>>
        %dma_wait3A_108 = arith.constant 0 : i32
        %dma_wait3A_109 = tpu.memref_slice %arg4[%add3A_92, %dma_wait3A_108] : memref<2816x128xi32, #tpu.memory_space<hbm>> -> memref<8x128xi32, #tpu.memory_space<hbm>>
        tpu.wait_dma2 semaphore(%arg18 : memref<!tpu.dma_semaphore, #tpu.memory_space<semaphore_mem>>) src(%dma_wait3A_109 : memref<8x128xi32, #tpu.memory_space<hbm>>) dst(%arg12 : memref<8x128xi32, #tpu.memory_space<vmem>>)
        %dma_wait3A_110 = arith.constant 0 : i32
        %dma_wait3A_111 = tpu.memref_slice %arg5[%add3A_92, %dma_wait3A_110] : memref<2816x128xi32, #tpu.memory_space<hbm>> -> memref<8x128xi32, #tpu.memory_space<hbm>>
        %dma_wait3A_112 = arith.constant 0 : i32
        %dma_wait3A_113 = tpu.memref_slice %arg5[%add3A_92, %dma_wait3A_112] : memref<2816x128xi32, #tpu.memory_space<hbm>> -> memref<8x128xi32, #tpu.memory_space<hbm>>
        tpu.wait_dma2 semaphore(%arg19 : memref<!tpu.dma_semaphore, #tpu.memory_space<semaphore_mem>>) src(%dma_wait3A_113 : memref<8x128xi32, #tpu.memory_space<hbm>>) dst(%arg13 : memref<8x128xi32, #tpu.memory_space<vmem>>)
        %scan3A_114 = arith.constant 0 : i32
        %scan3A_115 = arith.constant 0 : i32
        %scan3A_116 = arith.constant 8 : i32
        %scan3A_117 = arith.addi %scan3A_115, %scan3A_116 : i32
        %scan3A_118 = arith.constant 1 : i32
        %scan3A_119 = scf.for %scan3A_121 = %scan3A_115 to %scan3A_117 step %scan3A_118 iter_args(%scan3A_122 = %scan3A_114) -> (i32)  : i32 {
          %mul3A_123 = arith.constant 128 : i32
          %mul3A_124 = arith.muli %scan3A_121, %mul3A_123 : i32
          %add3A_125 = arith.addi %mul3A_94, %mul3A_124 : i32
          %lt3A_126 = arith.constant 330000 : i32
          %lt3A_127 = arith.cmpi slt, %add3A_125, %lt3A_126 : i32
          %convert_element_type3A_128 = arith.extui %lt3A_127 : i1 to i32
          %cond3A_129 = arith.constant 0 : i32
          %cond3A_130 = arith.cmpi ne, %convert_element_type3A_128, %cond3A_129 : i32
          scf.if %cond3A_130 {
            %dma_start3A_132 = arith.constant 0 : i32
            %dma_start3A_133 = tpu.memref_slice %arg12[%scan3A_121, %dma_start3A_132] : memref<8x128xi32, #tpu.memory_space<vmem>> -> memref<1x128xi32, #tpu.memory_space<vmem>>
            %dma_start3A_134 = tpu.memref_squeeze %dma_start3A_133 : memref<1x128xi32, #tpu.memory_space<vmem>> -> memref<128xi32, #tpu.memory_space<vmem>>
            %dma_start3A_135 = arith.constant 0 : i32
            %dma_start3A_136 = arith.constant 0 : i32
            %dma_start3A_137 = tpu.memref_slice %arg11[%dma_start3A_135, %dma_start3A_136] : memref<10000x16xf32, #tpu.memory_space<vmem_shared>> -> memref<10000x16xf32, #tpu.memory_space<vmem_shared>>
            tpu.enqueue_indirect_dma source(%dma_start3A_137 : memref<10000x16xf32, #tpu.memory_space<vmem_shared>>) target(%arg14 : memref<128x16xf32, #tpu.memory_space<vmem>>) offsets(%dma_start3A_134 : memref<128xi32, #tpu.memory_space<vmem>>) semaphore(%arg18 : memref<!tpu.dma_semaphore, #tpu.memory_space<semaphore_mem>>)
            %dma_start3A_138 = arith.constant 0 : i32
            %dma_start3A_139 = tpu.memref_slice %arg13[%scan3A_121, %dma_start3A_138] : memref<8x128xi32, #tpu.memory_space<vmem>> -> memref<1x128xi32, #tpu.memory_space<vmem>>
            %dma_start3A_140 = tpu.memref_squeeze %dma_start3A_139 : memref<1x128xi32, #tpu.memory_space<vmem>> -> memref<128xi32, #tpu.memory_space<vmem>>
            %dma_start3A_141 = arith.constant 0 : i32
            %dma_start3A_142 = arith.constant 0 : i32
            %dma_start3A_143 = tpu.memref_slice %arg11[%dma_start3A_141, %dma_start3A_142] : memref<10000x16xf32, #tpu.memory_space<vmem_shared>> -> memref<10000x16xf32, #tpu.memory_space<vmem_shared>>
            tpu.enqueue_indirect_dma source(%dma_start3A_143 : memref<10000x16xf32, #tpu.memory_space<vmem_shared>>) target(%arg15 : memref<128x16xf32, #tpu.memory_space<vmem>>) offsets(%dma_start3A_140 : memref<128xi32, #tpu.memory_space<vmem>>) semaphore(%arg19 : memref<!tpu.dma_semaphore, #tpu.memory_space<semaphore_mem>>)
            %dma_wait3A_144 = arith.constant 0 : i32
            %dma_wait3A_145 = tpu.memref_slice %arg12[%scan3A_121, %dma_wait3A_144] : memref<8x128xi32, #tpu.memory_space<vmem>> -> memref<1x128xi32, #tpu.memory_space<vmem>>
            %dma_wait3A_146 = tpu.memref_squeeze %dma_wait3A_145 : memref<1x128xi32, #tpu.memory_space<vmem>> -> memref<128xi32, #tpu.memory_space<vmem>>
            %dma_wait3A_147 = arith.constant 0 : i32
            %dma_wait3A_148 = arith.constant 0 : i32
            %dma_wait3A_149 = tpu.memref_slice %arg11[%dma_wait3A_147, %dma_wait3A_148] : memref<10000x16xf32, #tpu.memory_space<vmem_shared>> -> memref<10000x16xf32, #tpu.memory_space<vmem_shared>>
            tpu.wait_indirect_dma semaphore(%arg18 : memref<!tpu.dma_semaphore, #tpu.memory_space<semaphore_mem>>) src(%dma_wait3A_149 : memref<10000x16xf32, #tpu.memory_space<vmem_shared>>) dst(%arg14 : memref<128x16xf32, #tpu.memory_space<vmem>>)
            %dma_wait3A_150 = arith.constant 0 : i32
            %dma_wait3A_151 = tpu.memref_slice %arg13[%scan3A_121, %dma_wait3A_150] : memref<8x128xi32, #tpu.memory_space<vmem>> -> memref<1x128xi32, #tpu.memory_space<vmem>>
            %dma_wait3A_152 = tpu.memref_squeeze %dma_wait3A_151 : memref<1x128xi32, #tpu.memory_space<vmem>> -> memref<128xi32, #tpu.memory_space<vmem>>
            %dma_wait3A_153 = arith.constant 0 : i32
            %dma_wait3A_154 = arith.constant 0 : i32
            %dma_wait3A_155 = tpu.memref_slice %arg11[%dma_wait3A_153, %dma_wait3A_154] : memref<10000x16xf32, #tpu.memory_space<vmem_shared>> -> memref<10000x16xf32, #tpu.memory_space<vmem_shared>>
            tpu.wait_indirect_dma semaphore(%arg19 : memref<!tpu.dma_semaphore, #tpu.memory_space<semaphore_mem>>) src(%dma_wait3A_155 : memref<10000x16xf32, #tpu.memory_space<vmem_shared>>) dst(%arg15 : memref<128x16xf32, #tpu.memory_space<vmem>>)
            %parallel_loop3A_156 = arith.constant 0 : i32
            %parallel_loop3A_157 = arith.constant 128 : i32
            %parallel_loop3A_158 = arith.constant 1 : i32
            scf.for %parallel_loop3A_179 = %parallel_loop3A_156 to %parallel_loop3A_157 step %parallel_loop3A_158  : i32 {
              %parallel_loop3A_180 = arith.index_cast %parallel_loop3A_179 : i32 to index
              %parallel_loop3A_181 = arith.constant 0 : index
              %parallel_loop3A_182 = tpu.vector_load %arg14[%parallel_loop3A_180, %parallel_loop3A_181] {strides = array<i32>} : memref<128x16xf32, #tpu.memory_space<vmem>>, vector<1x16xf32>,
              %parallel_loop3A_183 = vector.shape_cast %parallel_loop3A_182 : vector<1x16xf32> to vector<16xf32>
              %parallel_loop3A_184 = arith.index_cast %parallel_loop3A_179 : i32 to index
              %parallel_loop3A_185 = arith.constant 0 : index
              %parallel_loop3A_186 = tpu.vector_load %arg15[%parallel_loop3A_184, %parallel_loop3A_185] {strides = array<i32>} : memref<128x16xf32, #tpu.memory_space<vmem>>, vector<1x16xf32>,
              %parallel_loop3A_187 = vector.shape_cast %parallel_loop3A_186 : vector<1x16xf32> to vector<16xf32>
              %parallel_loop3A_188 = vector.shape_cast %add3A_5 : vector<16xi32> to vector<16x1xi32>
              %parallel_loop3A_189 = vector.shape_cast %parallel_loop3A_188 : vector<16x1xi32> to vector<16xi32>
              %parallel_loop3A_190 = tpu.dynamic_gather %parallel_loop3A_187[%parallel_loop3A_189] in [0] : vector<16xf32>, vector<16xi32> -> vector<16xf32>
              %parallel_loop3A_191 = arith.addf %parallel_loop3A_183, %parallel_loop3A_190 : vector<16xf32>
              %parallel_loop3A_192 = arith.constant 2.000000e-01 : f32
              %parallel_loop3A_193 = vector.broadcast %parallel_loop3A_192 : f32 to vector<16xf32>
              %parallel_loop3A_194 = arith.mulf %parallel_loop3A_193, %parallel_loop3A_191 : vector<16xf32>
              %parallel_loop3A_195 = arith.maximumf %parallel_loop3A_191, %parallel_loop3A_194 : vector<16xf32>
              %parallel_loop3A_196 = arith.subf %parallel_loop3A_195, %get3A_61 : vector<16xf32>
              %parallel_loop3A_197 = math.exp %parallel_loop3A_196 : vector<16xf32>
              %parallel_loop3A_198 = arith.addi %add3A_125, %parallel_loop3A_179 : i32
              %parallel_loop3A_199 = arith.constant 330000 : i32
              %parallel_loop3A_200 = arith.subi %parallel_loop3A_199, %parallel_loop3A_198 : i32
              %parallel_loop3A_201 = arith.sitofp %parallel_loop3A_200 : i32 to f32
              %parallel_loop3A_202 = arith.constant 0.000000e+00 : f32
              %parallel_loop3A_203 = arith.constant 1.000000e+00 : f32
              %parallel_loop3A_204 = arith.maximumf %parallel_loop3A_202, %parallel_loop3A_201 : f32
              %parallel_loop3A_205 = arith.minimumf %parallel_loop3A_203, %parallel_loop3A_204 : f32
              %parallel_loop3A_206 = vector.broadcast %parallel_loop3A_205 : f32 to vector<16xf32>
              %parallel_loop3A_207 = arith.mulf %min3A_10, %parallel_loop3A_206 : vector<16xf32>
              %parallel_loop3A_208 = arith.mulf %parallel_loop3A_197, %parallel_loop3A_207 : vector<16xf32>
              %parallel_loop3A_209 = arith.index_cast %parallel_loop3A_179 : i32 to index
              %parallel_loop3A_210 = arith.constant 0 : index
              %parallel_loop3A_211 = tpu.vector_load %arg14[%parallel_loop3A_209, %parallel_loop3A_210] {strides = array<i32>} : memref<128x16xf32, #tpu.memory_space<vmem>>, vector<1x16xf32>,
              %parallel_loop3A_212 = vector.shape_cast %parallel_loop3A_211 : vector<1x16xf32> to vector<16xf32>
              %parallel_loop3A_213 = vector.shape_cast %parallel_loop3A_208 : vector<16xf32> to vector<1x16xf32>
              tpu.vector_store %arg14[%parallel_loop3A_209, %parallel_loop3A_210], %parallel_loop3A_213 {strides = array<i32>} : memref<128x16xf32, #tpu.memory_space<vmem>>, vector<1x16xf32>,
            } {sc.loop_unroll_factor = 8 : i64, sc.parallel_access}
            %dma_start3A_159 = arith.constant 0 : i32
            %dma_start3A_160 = tpu.memref_slice %arg7[%add3A_125, %dma_start3A_159] : memref<360448x16xf32, #tpu.memory_space<hbm>> -> memref<128x16xf32, #tpu.memory_space<hbm>>
            %dma_start3A_161 = arith.constant 0 : i32
            %dma_start3A_162 = tpu.memref_slice %arg7[%add3A_125, %dma_start3A_161] : memref<360448x16xf32, #tpu.memory_space<hbm>> -> memref<128x16xf32, #tpu.memory_space<hbm>>
            tpu.enqueue_dma source(%arg14 : memref<128x16xf32, #tpu.memory_space<vmem>>) target(%dma_start3A_162 : memref<128x16xf32, #tpu.memory_space<hbm>>) target_semaphore(%arg18 : memref<!tpu.dma_semaphore, #tpu.memory_space<semaphore_mem>>)
            %dma_start3A_163 = arith.constant 0 : i32
            %dma_start3A_164 = tpu.memref_slice %arg13[%scan3A_121, %dma_start3A_163] : memref<8x128xi32, #tpu.memory_space<vmem>> -> memref<1x128xi32, #tpu.memory_space<vmem>>
            %dma_start3A_165 = tpu.memref_squeeze %dma_start3A_164 : memref<1x128xi32, #tpu.memory_space<vmem>> -> memref<128xi32, #tpu.memory_space<vmem>>
            %dma_start3A_166 = arith.constant 0 : i32
            %dma_start3A_167 = arith.constant 0 : i32
            %dma_start3A_168 = tpu.memref_slice %arg10[%dma_start3A_166, %dma_start3A_167] : memref<10000x16xf32, #tpu.memory_space<vmem_shared>> -> memref<10000x16xf32, #tpu.memory_space<vmem_shared>>
            tpu.enqueue_indirect_dma source(%arg14 : memref<128x16xf32, #tpu.memory_space<vmem>>) target(%dma_start3A_168 : memref<10000x16xf32, #tpu.memory_space<vmem_shared>>) offsets(%dma_start3A_165 : memref<128xi32, #tpu.memory_space<vmem>>) semaphore(%arg19 : memref<!tpu.dma_semaphore, #tpu.memory_space<semaphore_mem>>) {add = true}
            %dma_wait3A_169 = arith.constant 0 : i32
            %dma_wait3A_170 = tpu.memref_slice %arg7[%add3A_125, %dma_wait3A_169] : memref<360448x16xf32, #tpu.memory_space<hbm>> -> memref<128x16xf32, #tpu.memory_space<hbm>>
            %dma_wait3A_171 = arith.constant 0 : i32
            %dma_wait3A_172 = tpu.memref_slice %arg7[%add3A_125, %dma_wait3A_171] : memref<360448x16xf32, #tpu.memory_space<hbm>> -> memref<128x16xf32, #tpu.memory_space<hbm>>
            tpu.wait_dma2 semaphore(%arg18 : memref<!tpu.dma_semaphore, #tpu.memory_space<semaphore_mem>>) src(%arg14 : memref<128x16xf32, #tpu.memory_space<vmem>>) dst(%dma_wait3A_172 : memref<128x16xf32, #tpu.memory_space<hbm>>)
            %dma_wait3A_173 = arith.constant 0 : i32
            %dma_wait3A_174 = tpu.memref_slice %arg13[%scan3A_121, %dma_wait3A_173] : memref<8x128xi32, #tpu.memory_space<vmem>> -> memref<1x128xi32, #tpu.memory_space<vmem>>
            %dma_wait3A_175 = tpu.memref_squeeze %dma_wait3A_174 : memref<1x128xi32, #tpu.memory_space<vmem>> -> memref<128xi32, #tpu.memory_space<vmem>>
            %dma_wait3A_176 = arith.constant 0 : i32
            %dma_wait3A_177 = arith.constant 0 : i32
            %dma_wait3A_178 = tpu.memref_slice %arg10[%dma_wait3A_176, %dma_wait3A_177] : memref<10000x16xf32, #tpu.memory_space<vmem_shared>> -> memref<10000x16xf32, #tpu.memory_space<vmem_shared>>
            tpu.wait_indirect_dma semaphore(%arg19 : memref<!tpu.dma_semaphore, #tpu.memory_space<semaphore_mem>>) src(%arg14 : memref<128x16xf32, #tpu.memory_space<vmem>>) dst(%dma_wait3A_178 : memref<10000x16xf32, #tpu.memory_space<vmem_shared>>)
          } else {
          }
          %scan3A_131 = arith.constant 0 : i32
          scf.yield %scan3A_131 : i32
        }
        %scan3A_120 = arith.constant 8 : i32
      } else {
      }
      %scan3A_99 = arith.constant 0 : i32
      scf.yield %scan3A_99 : i32
    }
    %scan3A_67 = arith.constant 22 : i32
    %barrier3A_68 = arith.constant 0 : index
    tpu.barrier barrier_id(%barrier3A_68)
    %scan3A_69 = arith.constant 0 : i32
    %scan3A_70 = arith.constant 0 : i32
    %scan3A_71 = arith.constant 11 : i32
    %scan3A_72 = arith.addi %scan3A_70, %scan3A_71 : i32
    %scan3A_73 = arith.constant 1 : i32
    %scan3A_74 = scf.for %scan3A_86 = %scan3A_70 to %scan3A_72 step %scan3A_73 iter_args(%scan3A_87 = %scan3A_69) -> (i32)  : i32 {
      %mul3A_88 = arith.constant 88 : i32
      %mul3A_89 = arith.muli %add3A, %mul3A_88 : i32
      %mul3A_90 = arith.constant 8 : i32
      %mul3A_91 = arith.muli %scan3A_86, %mul3A_90 : i32
      %add3A_92 = arith.addi %mul3A_89, %mul3A_91 : i32
      %mul3A_93 = arith.constant 128 : i32
      %mul3A_94 = arith.muli %add3A_92, %mul3A_93 : i32
      %lt3A = arith.constant 330000 : i32
      %lt3A_95 = arith.cmpi slt, %mul3A_94, %lt3A : i32
      %convert_element_type3A_96 = arith.extui %lt3A_95 : i1 to i32
      %cond3A_97 = arith.constant 0 : i32
      %cond3A_98 = arith.cmpi ne, %convert_element_type3A_96, %cond3A_97 : i32
      scf.if %cond3A_98 {
        %dma_start3A = arith.constant 0 : i32
        %dma_start3A_100 = tpu.memref_slice %arg4[%add3A_92, %dma_start3A] : memref<2816x128xi32, #tpu.memory_space<hbm>> -> memref<8x128xi32, #tpu.memory_space<hbm>>
        %dma_start3A_101 = arith.constant 0 : i32
        %dma_start3A_102 = tpu.memref_slice %arg4[%add3A_92, %dma_start3A_101] : memref<2816x128xi32, #tpu.memory_space<hbm>> -> memref<8x128xi32, #tpu.memory_space<hbm>>
        tpu.enqueue_dma source(%dma_start3A_102 : memref<8x128xi32, #tpu.memory_space<hbm>>) target(%arg12 : memref<8x128xi32, #tpu.memory_space<vmem>>) target_semaphore(%arg18 : memref<!tpu.dma_semaphore, #tpu.memory_space<semaphore_mem>>)
        %dma_start3A_103 = arith.constant 0 : i32
        %dma_start3A_104 = tpu.memref_slice %arg5[%add3A_92, %dma_start3A_103] : memref<2816x128xi32, #tpu.memory_space<hbm>> -> memref<8x128xi32, #tpu.memory_space<hbm>>
        %dma_start3A_105 = arith.constant 0 : i32
        %dma_start3A_106 = tpu.memref_slice %arg5[%add3A_92, %dma_start3A_105] : memref<2816x128xi32, #tpu.memory_space<hbm>> -> memref<8x128xi32, #tpu.memory_space<hbm>>
        tpu.enqueue_dma source(%dma_start3A_106 : memref<8x128xi32, #tpu.memory_space<hbm>>) target(%arg13 : memref<8x128xi32, #tpu.memory_space<vmem>>) target_semaphore(%arg19 : memref<!tpu.dma_semaphore, #tpu.memory_space<semaphore_mem>>)
        %dma_wait3A = arith.constant 0 : i32
        %dma_wait3A_107 = tpu.memref_slice %arg4[%add3A_92, %dma_wait3A] : memref<2816x128xi32, #tpu.memory_space<hbm>> -> memref<8x128xi32, #tpu.memory_space<hbm>>
        %dma_wait3A_108 = arith.constant 0 : i32
        %dma_wait3A_109 = tpu.memref_slice %arg4[%add3A_92, %dma_wait3A_108] : memref<2816x128xi32, #tpu.memory_space<hbm>> -> memref<8x128xi32, #tpu.memory_space<hbm>>
        tpu.wait_dma2 semaphore(%arg18 : memref<!tpu.dma_semaphore, #tpu.memory_space<semaphore_mem>>) src(%dma_wait3A_109 : memref<8x128xi32, #tpu.memory_space<hbm>>) dst(%arg12 : memref<8x128xi32, #tpu.memory_space<vmem>>)
        %dma_wait3A_110 = arith.constant 0 : i32
        %dma_wait3A_111 = tpu.memref_slice %arg5[%add3A_92, %dma_wait3A_110] : memref<2816x128xi32, #tpu.memory_space<hbm>> -> memref<8x128xi32, #tpu.memory_space<hbm>>
        %dma_wait3A_112 = arith.constant 0 : i32
        %dma_wait3A_113 = tpu.memref_slice %arg5[%add3A_92, %dma_wait3A_112] : memref<2816x128xi32, #tpu.memory_space<hbm>> -> memref<8x128xi32, #tpu.memory_space<hbm>>
        tpu.wait_dma2 semaphore(%arg19 : memref<!tpu.dma_semaphore, #tpu.memory_space<semaphore_mem>>) src(%dma_wait3A_113 : memref<8x128xi32, #tpu.memory_space<hbm>>) dst(%arg13 : memref<8x128xi32, #tpu.memory_space<vmem>>)
        %scan3A_114 = arith.constant 0 : i32
        %scan3A_115 = arith.constant 0 : i32
        %scan3A_116 = arith.constant 8 : i32
        %scan3A_117 = arith.addi %scan3A_115, %scan3A_116 : i32
        %scan3A_118 = arith.constant 1 : i32
        %scan3A_119 = scf.for %scan3A_121 = %scan3A_115 to %scan3A_117 step %scan3A_118 iter_args(%scan3A_122 = %scan3A_114) -> (i32)  : i32 {
          %mul3A_123 = arith.constant 128 : i32
          %mul3A_124 = arith.muli %scan3A_121, %mul3A_123 : i32
          %add3A_125 = arith.addi %mul3A_94, %mul3A_124 : i32
          %lt3A_126 = arith.constant 330000 : i32
          %lt3A_127 = arith.cmpi slt, %add3A_125, %lt3A_126 : i32
          %convert_element_type3A_128 = arith.extui %lt3A_127 : i1 to i32
          %cond3A_129 = arith.constant 0 : i32
          %cond3A_130 = arith.cmpi ne, %convert_element_type3A_128, %cond3A_129 : i32
          scf.if %cond3A_130 {
            %dma_start3A_132 = arith.constant 0 : i32
            %dma_start3A_133 = tpu.memref_slice %arg7[%add3A_125, %dma_start3A_132] : memref<360448x16xf32, #tpu.memory_space<hbm>> -> memref<128x16xf32, #tpu.memory_space<hbm>>
            %dma_start3A_134 = arith.constant 0 : i32
            %dma_start3A_135 = tpu.memref_slice %arg7[%add3A_125, %dma_start3A_134] : memref<360448x16xf32, #tpu.memory_space<hbm>> -> memref<128x16xf32, #tpu.memory_space<hbm>>
            tpu.enqueue_dma source(%dma_start3A_135 : memref<128x16xf32, #tpu.memory_space<hbm>>) target(%arg14 : memref<128x16xf32, #tpu.memory_space<vmem>>) target_semaphore(%arg18 : memref<!tpu.dma_semaphore, #tpu.memory_space<semaphore_mem>>)
            %dma_start3A_136 = arith.constant 0 : i32
            %dma_start3A_137 = tpu.memref_slice %arg12[%scan3A_121, %dma_start3A_136] : memref<8x128xi32, #tpu.memory_space<vmem>> -> memref<1x128xi32, #tpu.memory_space<vmem>>
            %dma_start3A_138 = tpu.memref_squeeze %dma_start3A_137 : memref<1x128xi32, #tpu.memory_space<vmem>> -> memref<128xi32, #tpu.memory_space<vmem>>
            %dma_start3A_139 = arith.constant 0 : i32
            %dma_start3A_140 = arith.constant 0 : i32
            %dma_start3A_141 = tpu.memref_slice %arg3[%dma_start3A_139, %dma_start3A_140] : memref<10000x128xf32, #tpu.memory_space<hbm>> -> memref<10000x128xf32, #tpu.memory_space<hbm>>
            tpu.enqueue_indirect_dma source(%dma_start3A_141 : memref<10000x128xf32, #tpu.memory_space<hbm>>) target(%arg16 : memref<128x128xf32, #tpu.memory_space<vmem>>) offsets(%dma_start3A_138 : memref<128xi32, #tpu.memory_space<vmem>>) semaphore(%arg19 : memref<!tpu.dma_semaphore, #tpu.memory_space<semaphore_mem>>)
            %dma_start3A_142 = arith.constant 0 : i32
            %dma_start3A_143 = tpu.memref_slice %arg13[%scan3A_121, %dma_start3A_142] : memref<8x128xi32, #tpu.memory_space<vmem>> -> memref<1x128xi32, #tpu.memory_space<vmem>>
            %dma_start3A_144 = tpu.memref_squeeze %dma_start3A_143 : memref<1x128xi32, #tpu.memory_space<vmem>> -> memref<128xi32, #tpu.memory_space<vmem>>
            %dma_start3A_145 = arith.constant 0 : i32
            %dma_start3A_146 = arith.constant 0 : i32
            %dma_start3A_147 = tpu.memref_slice %arg10[%dma_start3A_145, %dma_start3A_146] : memref<10000x16xf32, #tpu.memory_space<vmem_shared>> -> memref<10000x16xf32, #tpu.memory_space<vmem_shared>>
            tpu.enqueue_indirect_dma source(%dma_start3A_147 : memref<10000x16xf32, #tpu.memory_space<vmem_shared>>) target(%arg15 : memref<128x16xf32, #tpu.memory_space<vmem>>) offsets(%dma_start3A_144 : memref<128xi32, #tpu.memory_space<vmem>>) semaphore(%arg20 : memref<!tpu.dma_semaphore, #tpu.memory_space<semaphore_mem>>)
            %dma_wait3A_148 = arith.constant 0 : i32
            %dma_wait3A_149 = tpu.memref_slice %arg7[%add3A_125, %dma_wait3A_148] : memref<360448x16xf32, #tpu.memory_space<hbm>> -> memref<128x16xf32, #tpu.memory_space<hbm>>
            %dma_wait3A_150 = arith.constant 0 : i32
            %dma_wait3A_151 = tpu.memref_slice %arg7[%add3A_125, %dma_wait3A_150] : memref<360448x16xf32, #tpu.memory_space<hbm>> -> memref<128x16xf32, #tpu.memory_space<hbm>>
            tpu.wait_dma2 semaphore(%arg18 : memref<!tpu.dma_semaphore, #tpu.memory_space<semaphore_mem>>) src(%dma_wait3A_151 : memref<128x16xf32, #tpu.memory_space<hbm>>) dst(%arg14 : memref<128x16xf32, #tpu.memory_space<vmem>>)
            %dma_wait3A_152 = arith.constant 0 : i32
            %dma_wait3A_153 = tpu.memref_slice %arg12[%scan3A_121, %dma_wait3A_152] : memref<8x128xi32, #tpu.memory_space<vmem>> -> memref<1x128xi32, #tpu.memory_space<vmem>>
            %dma_wait3A_154 = tpu.memref_squeeze %dma_wait3A_153 : memref<1x128xi32, #tpu.memory_space<vmem>> -> memref<128xi32, #tpu.memory_space<vmem>>
            %dma_wait3A_155 = arith.constant 0 : i32
            %dma_wait3A_156 = arith.constant 0 : i32
            %dma_wait3A_157 = tpu.memref_slice %arg3[%dma_wait3A_155, %dma_wait3A_156] : memref<10000x128xf32, #tpu.memory_space<hbm>> -> memref<10000x128xf32, #tpu.memory_space<hbm>>
            tpu.wait_indirect_dma semaphore(%arg19 : memref<!tpu.dma_semaphore, #tpu.memory_space<semaphore_mem>>) src(%dma_wait3A_157 : memref<10000x128xf32, #tpu.memory_space<hbm>>) dst(%arg16 : memref<128x128xf32, #tpu.memory_space<vmem>>)
            %dma_wait3A_158 = arith.constant 0 : i32
            %dma_wait3A_159 = tpu.memref_slice %arg13[%scan3A_121, %dma_wait3A_158] : memref<8x128xi32, #tpu.memory_space<vmem>> -> memref<1x128xi32, #tpu.memory_space<vmem>>
            %dma_wait3A_160 = tpu.memref_squeeze %dma_wait3A_159 : memref<1x128xi32, #tpu.memory_space<vmem>> -> memref<128xi32, #tpu.memory_space<vmem>>
            %dma_wait3A_161 = arith.constant 0 : i32
            %dma_wait3A_162 = arith.constant 0 : i32
            %dma_wait3A_163 = tpu.memref_slice %arg10[%dma_wait3A_161, %dma_wait3A_162] : memref<10000x16xf32, #tpu.memory_space<vmem_shared>> -> memref<10000x16xf32, #tpu.memory_space<vmem_shared>>
            tpu.wait_indirect_dma semaphore(%arg20 : memref<!tpu.dma_semaphore, #tpu.memory_space<semaphore_mem>>) src(%dma_wait3A_163 : memref<10000x16xf32, #tpu.memory_space<vmem_shared>>) dst(%arg15 : memref<128x16xf32, #tpu.memory_space<vmem>>)
            %parallel_loop3A_164 = arith.constant 0 : i32
            %parallel_loop3A_165 = arith.constant 128 : i32
            %parallel_loop3A_166 = arith.constant 1 : i32
            scf.for %parallel_loop3A_187 = %parallel_loop3A_164 to %parallel_loop3A_165 step %parallel_loop3A_166  : i32 {
              %parallel_loop3A_188 = arith.index_cast %parallel_loop3A_187 : i32 to index
              %parallel_loop3A_189 = arith.constant 0 : index
              %parallel_loop3A_190 = tpu.vector_load %arg14[%parallel_loop3A_188, %parallel_loop3A_189] {strides = array<i32>} : memref<128x16xf32, #tpu.memory_space<vmem>>, vector<1x16xf32>,
              %parallel_loop3A_191 = vector.shape_cast %parallel_loop3A_190 : vector<1x16xf32> to vector<16xf32>
              %parallel_loop3A_192 = arith.index_cast %parallel_loop3A_187 : i32 to index
              %parallel_loop3A_193 = arith.constant 0 : index
              %parallel_loop3A_194 = tpu.vector_load %arg15[%parallel_loop3A_192, %parallel_loop3A_193] {strides = array<i32>} : memref<128x16xf32, #tpu.memory_space<vmem>>, vector<1x16xf32>,
              %parallel_loop3A_195 = vector.shape_cast %parallel_loop3A_194 : vector<1x16xf32> to vector<16xf32>
              %parallel_loop3A_196 = arith.constant 1.000000e-16 : f32
              %parallel_loop3A_197 = vector.broadcast %parallel_loop3A_196 : f32 to vector<16xf32>
              %parallel_loop3A_198 = arith.addf %parallel_loop3A_195, %parallel_loop3A_197 : vector<16xf32>
              %parallel_loop3A_199 = arith.divf %parallel_loop3A_191, %parallel_loop3A_198 : vector<16xf32>
              %parallel_loop3A_200 = arith.index_cast %parallel_loop3A_187 : i32 to index
              %parallel_loop3A_201 = arith.constant 0 : index
              %parallel_loop3A_202 = tpu.vector_load %arg14[%parallel_loop3A_200, %parallel_loop3A_201] {strides = array<i32>} : memref<128x16xf32, #tpu.memory_space<vmem>>, vector<1x16xf32>,
              %parallel_loop3A_203 = vector.shape_cast %parallel_loop3A_202 : vector<1x16xf32> to vector<16xf32>
              %parallel_loop3A_204 = vector.shape_cast %parallel_loop3A_199 : vector<16xf32> to vector<1x16xf32>
              tpu.vector_store %arg14[%parallel_loop3A_200, %parallel_loop3A_201], %parallel_loop3A_204 {strides = array<i32>} : memref<128x16xf32, #tpu.memory_space<vmem>>, vector<1x16xf32>,
              %parallel_loop3A_205 = vector.extract_strided_slice %parallel_loop3A_199 {offsets = [0], sizes = [1], strides = [1]} : vector<16xf32> to vector<1xf32>
              %parallel_loop3A_206 = vector.extract %parallel_loop3A_205[0] : f32 from vector<1xf32>
              %parallel_loop3A_207 = vector.broadcast %parallel_loop3A_206 : f32 to vector<16xf32>
              %parallel_loop3A_208 = arith.index_cast %parallel_loop3A_187 : i32 to index
              %parallel_loop3A_209 = arith.constant 0 : index
              %parallel_loop3A_210 = tpu.vector_load %arg16[%parallel_loop3A_208, %parallel_loop3A_209] {strides = array<i32>} : memref<128x128xf32, #tpu.memory_space<vmem>>, vector<1x16xf32>,
              %parallel_loop3A_211 = vector.shape_cast %parallel_loop3A_210 : vector<1x16xf32> to vector<16xf32>
              %parallel_loop3A_212 = arith.mulf %parallel_loop3A_211, %parallel_loop3A_207 : vector<16xf32>
              %parallel_loop3A_213 = arith.index_cast %parallel_loop3A_187 : i32 to index
              %parallel_loop3A_214 = arith.constant 0 : index
              %parallel_loop3A_215 = tpu.vector_load %arg16[%parallel_loop3A_213, %parallel_loop3A_214] {strides = array<i32>} : memref<128x128xf32, #tpu.memory_space<vmem>>, vector<1x16xf32>,
              %parallel_loop3A_216 = vector.shape_cast %parallel_loop3A_215 : vector<1x16xf32> to vector<16xf32>
              %parallel_loop3A_217 = vector.shape_cast %parallel_loop3A_212 : vector<16xf32> to vector<1x16xf32>
              tpu.vector_store %arg16[%parallel_loop3A_213, %parallel_loop3A_214], %parallel_loop3A_217 {strides = array<i32>} : memref<128x128xf32, #tpu.memory_space<vmem>>, vector<1x16xf32>,
              %parallel_loop3A_218 = vector.extract_strided_slice %parallel_loop3A_199 {offsets = [1], sizes = [1], strides = [1]} : vector<16xf32> to vector<1xf32>
              %parallel_loop3A_219 = vector.extract %parallel_loop3A_218[0] : f32 from vector<1xf32>
              %parallel_loop3A_220 = vector.broadcast %parallel_loop3A_219 : f32 to vector<16xf32>
              %parallel_loop3A_221 = arith.index_cast %parallel_loop3A_187 : i32 to index
              %parallel_loop3A_222 = arith.constant 16 : index
              %parallel_loop3A_223 = tpu.vector_load %arg16[%parallel_loop3A_221, %parallel_loop3A_222] {strides = array<i32>} : memref<128x128xf32, #tpu.memory_space<vmem>>, vector<1x16xf32>,
              %parallel_loop3A_224 = vector.shape_cast %parallel_loop3A_223 : vector<1x16xf32> to vector<16xf32>
              %parallel_loop3A_225 = arith.mulf %parallel_loop3A_224, %parallel_loop3A_220 : vector<16xf32>
              %parallel_loop3A_226 = arith.index_cast %parallel_loop3A_187 : i32 to index
              %parallel_loop3A_227 = arith.constant 16 : index
              %parallel_loop3A_228 = tpu.vector_load %arg16[%parallel_loop3A_226, %parallel_loop3A_227] {strides = array<i32>} : memref<128x128xf32, #tpu.memory_space<vmem>>, vector<1x16xf32>,
              %parallel_loop3A_229 = vector.shape_cast %parallel_loop3A_228 : vector<1x16xf32> to vector<16xf32>
              %parallel_loop3A_230 = vector.shape_cast %parallel_loop3A_225 : vector<16xf32> to vector<1x16xf32>
              tpu.vector_store %arg16[%parallel_loop3A_226, %parallel_loop3A_227], %parallel_loop3A_230 {strides = array<i32>} : memref<128x128xf32, #tpu.memory_space<vmem>>, vector<1x16xf32>,
              %parallel_loop3A_231 = vector.extract_strided_slice %parallel_loop3A_199 {offsets = [2], sizes = [1], strides = [1]} : vector<16xf32> to vector<1xf32>
              %parallel_loop3A_232 = vector.extract %parallel_loop3A_231[0] : f32 from vector<1xf32>
              %parallel_loop3A_233 = vector.broadcast %parallel_loop3A_232 : f32 to vector<16xf32>
              %parallel_loop3A_234 = arith.index_cast %parallel_loop3A_187 : i32 to index
              %parallel_loop3A_235 = arith.constant 32 : index
              %parallel_loop3A_236 = tpu.vector_load %arg16[%parallel_loop3A_234, %parallel_loop3A_235] {strides = array<i32>} : memref<128x128xf32, #tpu.memory_space<vmem>>, vector<1x16xf32>,
              %parallel_loop3A_237 = vector.shape_cast %parallel_loop3A_236 : vector<1x16xf32> to vector<16xf32>
              %parallel_loop3A_238 = arith.mulf %parallel_loop3A_237, %parallel_loop3A_233 : vector<16xf32>
              %parallel_loop3A_239 = arith.index_cast %parallel_loop3A_187 : i32 to index
              %parallel_loop3A_240 = arith.constant 32 : index
              %parallel_loop3A_241 = tpu.vector_load %arg16[%parallel_loop3A_239, %parallel_loop3A_240] {strides = array<i32>} : memref<128x128xf32, #tpu.memory_space<vmem>>, vector<1x16xf32>,
              %parallel_loop3A_242 = vector.shape_cast %parallel_loop3A_241 : vector<1x16xf32> to vector<16xf32>
              %parallel_loop3A_243 = vector.shape_cast %parallel_loop3A_238 : vector<16xf32> to vector<1x16xf32>
              tpu.vector_store %arg16[%parallel_loop3A_239, %parallel_loop3A_240], %parallel_loop3A_243 {strides = array<i32>} : memref<128x128xf32, #tpu.memory_space<vmem>>, vector<1x16xf32>,
              %parallel_loop3A_244 = vector.extract_strided_slice %parallel_loop3A_199 {offsets = [3], sizes = [1], strides = [1]} : vector<16xf32> to vector<1xf32>
              %parallel_loop3A_245 = vector.extract %parallel_loop3A_244[0] : f32 from vector<1xf32>
              %parallel_loop3A_246 = vector.broadcast %parallel_loop3A_245 : f32 to vector<16xf32>
              %parallel_loop3A_247 = arith.index_cast %parallel_loop3A_187 : i32 to index
              %parallel_loop3A_248 = arith.constant 48 : index
              %parallel_loop3A_249 = tpu.vector_load %arg16[%parallel_loop3A_247, %parallel_loop3A_248] {strides = array<i32>} : memref<128x128xf32, #tpu.memory_space<vmem>>, vector<1x16xf32>,
              %parallel_loop3A_250 = vector.shape_cast %parallel_loop3A_249 : vector<1x16xf32> to vector<16xf32>
              %parallel_loop3A_251 = arith.mulf %parallel_loop3A_250, %parallel_loop3A_246 : vector<16xf32>
              %parallel_loop3A_252 = arith.index_cast %parallel_loop3A_187 : i32 to index
              %parallel_loop3A_253 = arith.constant 48 : index
              %parallel_loop3A_254 = tpu.vector_load %arg16[%parallel_loop3A_252, %parallel_loop3A_253] {strides = array<i32>} : memref<128x128xf32, #tpu.memory_space<vmem>>, vector<1x16xf32>,
              %parallel_loop3A_255 = vector.shape_cast %parallel_loop3A_254 : vector<1x16xf32> to vector<16xf32>
              %parallel_loop3A_256 = vector.shape_cast %parallel_loop3A_251 : vector<16xf32> to vector<1x16xf32>
              tpu.vector_store %arg16[%parallel_loop3A_252, %parallel_loop3A_253], %parallel_loop3A_256 {strides = array<i32>} : memref<128x128xf32, #tpu.memory_space<vmem>>, vector<1x16xf32>,
              %parallel_loop3A_257 = vector.extract_strided_slice %parallel_loop3A_199 {offsets = [4], sizes = [1], strides = [1]} : vector<16xf32> to vector<1xf32>
              %parallel_loop3A_258 = vector.extract %parallel_loop3A_257[0] : f32 from vector<1xf32>
              %parallel_loop3A_259 = vector.broadcast %parallel_loop3A_258 : f32 to vector<16xf32>
              %parallel_loop3A_260 = arith.index_cast %parallel_loop3A_187 : i32 to index
              %parallel_loop3A_261 = arith.constant 64 : index
              %parallel_loop3A_262 = tpu.vector_load %arg16[%parallel_loop3A_260, %parallel_loop3A_261] {strides = array<i32>} : memref<128x128xf32, #tpu.memory_space<vmem>>, vector<1x16xf32>,
              %parallel_loop3A_263 = vector.shape_cast %parallel_loop3A_262 : vector<1x16xf32> to vector<16xf32>
              %parallel_loop3A_264 = arith.mulf %parallel_loop3A_263, %parallel_loop3A_259 : vector<16xf32>
              %parallel_loop3A_265 = arith.index_cast %parallel_loop3A_187 : i32 to index
              %parallel_loop3A_266 = arith.constant 64 : index
              %parallel_loop3A_267 = tpu.vector_load %arg16[%parallel_loop3A_265, %parallel_loop3A_266] {strides = array<i32>} : memref<128x128xf32, #tpu.memory_space<vmem>>, vector<1x16xf32>,
              %parallel_loop3A_268 = vector.shape_cast %parallel_loop3A_267 : vector<1x16xf32> to vector<16xf32>
              %parallel_loop3A_269 = vector.shape_cast %parallel_loop3A_264 : vector<16xf32> to vector<1x16xf32>
              tpu.vector_store %arg16[%parallel_loop3A_265, %parallel_loop3A_266], %parallel_loop3A_269 {strides = array<i32>} : memref<128x128xf32, #tpu.memory_space<vmem>>, vector<1x16xf32>,
              %parallel_loop3A_270 = vector.extract_strided_slice %parallel_loop3A_199 {offsets = [5], sizes = [1], strides = [1]} : vector<16xf32> to vector<1xf32>
              %parallel_loop3A_271 = vector.extract %parallel_loop3A_270[0] : f32 from vector<1xf32>
              %parallel_loop3A_272 = vector.broadcast %parallel_loop3A_271 : f32 to vector<16xf32>
              %parallel_loop3A_273 = arith.index_cast %parallel_loop3A_187 : i32 to index
              %parallel_loop3A_274 = arith.constant 80 : index
              %parallel_loop3A_275 = tpu.vector_load %arg16[%parallel_loop3A_273, %parallel_loop3A_274] {strides = array<i32>} : memref<128x128xf32, #tpu.memory_space<vmem>>, vector<1x16xf32>,
              %parallel_loop3A_276 = vector.shape_cast %parallel_loop3A_275 : vector<1x16xf32> to vector<16xf32>
              %parallel_loop3A_277 = arith.mulf %parallel_loop3A_276, %parallel_loop3A_272 : vector<16xf32>
              %parallel_loop3A_278 = arith.index_cast %parallel_loop3A_187 : i32 to index
              %parallel_loop3A_279 = arith.constant 80 : index
              %parallel_loop3A_280 = tpu.vector_load %arg16[%parallel_loop3A_278, %parallel_loop3A_279] {strides = array<i32>} : memref<128x128xf32, #tpu.memory_space<vmem>>, vector<1x16xf32>,
              %parallel_loop3A_281 = vector.shape_cast %parallel_loop3A_280 : vector<1x16xf32> to vector<16xf32>
              %parallel_loop3A_282 = vector.shape_cast %parallel_loop3A_277 : vector<16xf32> to vector<1x16xf32>
              tpu.vector_store %arg16[%parallel_loop3A_278, %parallel_loop3A_279], %parallel_loop3A_282 {strides = array<i32>} : memref<128x128xf32, #tpu.memory_space<vmem>>, vector<1x16xf32>,
              %parallel_loop3A_283 = vector.extract_strided_slice %parallel_loop3A_199 {offsets = [6], sizes = [1], strides = [1]} : vector<16xf32> to vector<1xf32>
              %parallel_loop3A_284 = vector.extract %parallel_loop3A_283[0] : f32 from vector<1xf32>
              %parallel_loop3A_285 = vector.broadcast %parallel_loop3A_284 : f32 to vector<16xf32>
              %parallel_loop3A_286 = arith.index_cast %parallel_loop3A_187 : i32 to index
              %parallel_loop3A_287 = arith.constant 96 : index
              %parallel_loop3A_288 = tpu.vector_load %arg16[%parallel_loop3A_286, %parallel_loop3A_287] {strides = array<i32>} : memref<128x128xf32, #tpu.memory_space<vmem>>, vector<1x16xf32>,
              %parallel_loop3A_289 = vector.shape_cast %parallel_loop3A_288 : vector<1x16xf32> to vector<16xf32>
              %parallel_loop3A_290 = arith.mulf %parallel_loop3A_289, %parallel_loop3A_285 : vector<16xf32>
              %parallel_loop3A_291 = arith.index_cast %parallel_loop3A_187 : i32 to index
              %parallel_loop3A_292 = arith.constant 96 : index
              %parallel_loop3A_293 = tpu.vector_load %arg16[%parallel_loop3A_291, %parallel_loop3A_292] {strides = array<i32>} : memref<128x128xf32, #tpu.memory_space<vmem>>, vector<1x16xf32>,
              %parallel_loop3A_294 = vector.shape_cast %parallel_loop3A_293 : vector<1x16xf32> to vector<16xf32>
              %parallel_loop3A_295 = vector.shape_cast %parallel_loop3A_290 : vector<16xf32> to vector<1x16xf32>
              tpu.vector_store %arg16[%parallel_loop3A_291, %parallel_loop3A_292], %parallel_loop3A_295 {strides = array<i32>} : memref<128x128xf32, #tpu.memory_space<vmem>>, vector<1x16xf32>,
              %parallel_loop3A_296 = vector.extract_strided_slice %parallel_loop3A_199 {offsets = [7], sizes = [1], strides = [1]} : vector<16xf32> to vector<1xf32>
              %parallel_loop3A_297 = vector.extract %parallel_loop3A_296[0] : f32 from vector<1xf32>
              %parallel_loop3A_298 = vector.broadcast %parallel_loop3A_297 : f32 to vector<16xf32>
              %parallel_loop3A_299 = arith.index_cast %parallel_loop3A_187 : i32 to index
              %parallel_loop3A_300 = arith.constant 112 : index
              %parallel_loop3A_301 = tpu.vector_load %arg16[%parallel_loop3A_299, %parallel_loop3A_300] {strides = array<i32>} : memref<128x128xf32, #tpu.memory_space<vmem>>, vector<1x16xf32>,
              %parallel_loop3A_302 = vector.shape_cast %parallel_loop3A_301 : vector<1x16xf32> to vector<16xf32>
              %parallel_loop3A_303 = arith.mulf %parallel_loop3A_302, %parallel_loop3A_298 : vector<16xf32>
              %parallel_loop3A_304 = arith.index_cast %parallel_loop3A_187 : i32 to index
              %parallel_loop3A_305 = arith.constant 112 : index
              %parallel_loop3A_306 = tpu.vector_load %arg16[%parallel_loop3A_304, %parallel_loop3A_305] {strides = array<i32>} : memref<128x128xf32, #tpu.memory_space<vmem>>, vector<1x16xf32>,
              %parallel_loop3A_307 = vector.shape_cast %parallel_loop3A_306 : vector<1x16xf32> to vector<16xf32>
              %parallel_loop3A_308 = vector.shape_cast %parallel_loop3A_303 : vector<16xf32> to vector<1x16xf32>
              tpu.vector_store %arg16[%parallel_loop3A_304, %parallel_loop3A_305], %parallel_loop3A_308 {strides = array<i32>} : memref<128x128xf32, #tpu.memory_space<vmem>>, vector<1x16xf32>,
            } {sc.loop_unroll_factor = 4 : i64, sc.parallel_access}
            %dma_start3A_167 = arith.constant 0 : i32
            %dma_start3A_168 = tpu.memref_slice %arg7[%add3A_125, %dma_start3A_167] : memref<360448x16xf32, #tpu.memory_space<hbm>> -> memref<128x16xf32, #tpu.memory_space<hbm>>
            %dma_start3A_169 = arith.constant 0 : i32
            %dma_start3A_170 = tpu.memref_slice %arg7[%add3A_125, %dma_start3A_169] : memref<360448x16xf32, #tpu.memory_space<hbm>> -> memref<128x16xf32, #tpu.memory_space<hbm>>
            tpu.enqueue_dma source(%arg14 : memref<128x16xf32, #tpu.memory_space<vmem>>) target(%dma_start3A_170 : memref<128x16xf32, #tpu.memory_space<hbm>>) target_semaphore(%arg18 : memref<!tpu.dma_semaphore, #tpu.memory_space<semaphore_mem>>)
            %dma_start3A_171 = arith.constant 0 : i32
            %dma_start3A_172 = tpu.memref_slice %arg13[%scan3A_121, %dma_start3A_171] : memref<8x128xi32, #tpu.memory_space<vmem>> -> memref<1x128xi32, #tpu.memory_space<vmem>>
            %dma_start3A_173 = tpu.memref_squeeze %dma_start3A_172 : memref<1x128xi32, #tpu.memory_space<vmem>> -> memref<128xi32, #tpu.memory_space<vmem>>
            %dma_start3A_174 = arith.constant 0 : i32
            %dma_start3A_175 = arith.constant 0 : i32
            %dma_start3A_176 = tpu.memref_slice %arg9[%dma_start3A_174, %dma_start3A_175] : memref<10000x128xf32, #tpu.memory_space<vmem_shared>> -> memref<10000x128xf32, #tpu.memory_space<vmem_shared>>
            tpu.enqueue_indirect_dma source(%arg16 : memref<128x128xf32, #tpu.memory_space<vmem>>) target(%dma_start3A_176 : memref<10000x128xf32, #tpu.memory_space<vmem_shared>>) offsets(%dma_start3A_173 : memref<128xi32, #tpu.memory_space<vmem>>) semaphore(%arg19 : memref<!tpu.dma_semaphore, #tpu.memory_space<semaphore_mem>>) {add = true}
            %dma_wait3A_177 = arith.constant 0 : i32
            %dma_wait3A_178 = tpu.memref_slice %arg7[%add3A_125, %dma_wait3A_177] : memref<360448x16xf32, #tpu.memory_space<hbm>> -> memref<128x16xf32, #tpu.memory_space<hbm>>
            %dma_wait3A_179 = arith.constant 0 : i32
            %dma_wait3A_180 = tpu.memref_slice %arg7[%add3A_125, %dma_wait3A_179] : memref<360448x16xf32, #tpu.memory_space<hbm>> -> memref<128x16xf32, #tpu.memory_space<hbm>>
            tpu.wait_dma2 semaphore(%arg18 : memref<!tpu.dma_semaphore, #tpu.memory_space<semaphore_mem>>) src(%arg14 : memref<128x16xf32, #tpu.memory_space<vmem>>) dst(%dma_wait3A_180 : memref<128x16xf32, #tpu.memory_space<hbm>>)
            %dma_wait3A_181 = arith.constant 0 : i32
            %dma_wait3A_182 = tpu.memref_slice %arg13[%scan3A_121, %dma_wait3A_181] : memref<8x128xi32, #tpu.memory_space<vmem>> -> memref<1x128xi32, #tpu.memory_space<vmem>>
            %dma_wait3A_183 = tpu.memref_squeeze %dma_wait3A_182 : memref<1x128xi32, #tpu.memory_space<vmem>> -> memref<128xi32, #tpu.memory_space<vmem>>
            %dma_wait3A_184 = arith.constant 0 : i32
            %dma_wait3A_185 = arith.constant 0 : i32
            %dma_wait3A_186 = tpu.memref_slice %arg9[%dma_wait3A_184, %dma_wait3A_185] : memref<10000x128xf32, #tpu.memory_space<vmem_shared>> -> memref<10000x128xf32, #tpu.memory_space<vmem_shared>>
            tpu.wait_indirect_dma semaphore(%arg19 : memref<!tpu.dma_semaphore, #tpu.memory_space<semaphore_mem>>) src(%arg16 : memref<128x128xf32, #tpu.memory_space<vmem>>) dst(%dma_wait3A_186 : memref<10000x128xf32, #tpu.memory_space<vmem_shared>>)
          } else {
          }
          %scan3A_131 = arith.constant 0 : i32
          scf.yield %scan3A_131 : i32
        }
        %scan3A_120 = arith.constant 8 : i32
      } else {
      }
      %scan3A_99 = arith.constant 0 : i32
      scf.yield %scan3A_99 : i32
    }
    %scan3A_75 = arith.constant 11 : i32
    %barrier3A_76 = arith.constant 0 : index
    tpu.barrier barrier_id(%barrier3A_76)
    %mul3A_77 = arith.constant 624 : i32
    %mul3A_78 = arith.muli %arg1, %mul3A_77 : i32
    %mul3A_79 = arith.constant 624 : i32
    %mul3A_80 = arith.muli %arg1, %mul3A_79 : i32
    "tpu.region"() ({
      %run_scoped3A = tpu.sem_alloc : memref<!tpu.dma_semaphore, #tpu.memory_space<semaphore_mem>>
      %dma_start3A = arith.constant 0 : i32
      %dma_start3A_86 = arith.constant 0 : i32
      %dma_start3A_87 = tpu.memref_slice %arg8[%arg0, %dma_start3A, %dma_start3A_86] : memref<2x10000x128xf32, #tpu.memory_space<hbm>> -> memref<1x10000x128xf32, #tpu.memory_space<hbm>>
      %dma_start3A_88 = tpu.memref_squeeze %dma_start3A_87 : memref<1x10000x128xf32, #tpu.memory_space<hbm>> -> memref<10000x128xf32, #tpu.memory_space<hbm>>
      %dma_start3A_89 = arith.constant 0 : i32
      %dma_start3A_90 = tpu.memref_slice %dma_start3A_88[%mul3A_80, %dma_start3A_89] : memref<10000x128xf32, #tpu.memory_space<hbm>> -> memref<624x128xf32, #tpu.memory_space<hbm>>
      %dma_start3A_91 = arith.constant 0 : i32
      %dma_start3A_92 = tpu.memref_slice %arg9[%mul3A_78, %dma_start3A_91] : memref<10000x128xf32, #tpu.memory_space<vmem_shared>> -> memref<624x128xf32, #tpu.memory_space<vmem_shared>>
      tpu.enqueue_dma source(%dma_start3A_92 : memref<624x128xf32, #tpu.memory_space<vmem_shared>>) target(%dma_start3A_90 : memref<624x128xf32, #tpu.memory_space<hbm>>) target_semaphore(%run_scoped3A : memref<!tpu.dma_semaphore, #tpu.memory_space<semaphore_mem>>)
      %dma_wait3A = arith.constant 0 : i32
      %dma_wait3A_93 = arith.constant 0 : i32
      %dma_wait3A_94 = tpu.memref_slice %arg8[%arg0, %dma_wait3A, %dma_wait3A_93] : memref<2x10000x128xf32, #tpu.memory_space<hbm>> -> memref<1x10000x128xf32, #tpu.memory_space<hbm>>
      %dma_wait3A_95 = tpu.memref_squeeze %dma_wait3A_94 : memref<1x10000x128xf32, #tpu.memory_space<hbm>> -> memref<10000x128xf32, #tpu.memory_space<hbm>>
      %dma_wait3A_96 = arith.constant 0 : i32
      %dma_wait3A_97 = tpu.memref_slice %dma_wait3A_95[%mul3A_80, %dma_wait3A_96] : memref<10000x128xf32, #tpu.memory_space<hbm>> -> memref<624x128xf32, #tpu.memory_space<hbm>>
      %dma_wait3A_98 = arith.constant 0 : i32
      %dma_wait3A_99 = tpu.memref_slice %arg9[%mul3A_78, %dma_wait3A_98] : memref<10000x128xf32, #tpu.memory_space<vmem_shared>> -> memref<624x128xf32, #tpu.memory_space<vmem_shared>>
      tpu.wait_dma2 semaphore(%run_scoped3A : memref<!tpu.dma_semaphore, #tpu.memory_space<semaphore_mem>>) src(%dma_wait3A_99 : memref<624x128xf32, #tpu.memory_space<vmem_shared>>) dst(%dma_wait3A_97 : memref<624x128xf32, #tpu.memory_space<hbm>>)
      tpu.yield
    }) : () -> ()
    %eq3A_81 = arith.constant 0 : i32
    %eq3A_82 = arith.cmpi eq, %arg1, %eq3A_81 : i32
    %convert_element_type3A_83 = arith.extui %eq3A_82 : i1 to i32
    %cond3A_84 = arith.constant 0 : i32
    %cond3A_85 = arith.cmpi ne, %convert_element_type3A_83, %cond3A_84 : i32
    scf.if %cond3A_85 {
      "tpu.region"() ({
        %run_scoped3A = tpu.sem_alloc : memref<!tpu.dma_semaphore, #tpu.memory_space<semaphore_mem>>
        %dma_start3A = arith.constant 0 : i32
        %dma_start3A_86 = arith.constant 0 : i32
        %dma_start3A_87 = tpu.memref_slice %arg8[%arg0, %dma_start3A, %dma_start3A_86] : memref<2x10000x128xf32, #tpu.memory_space<hbm>> -> memref<1x10000x128xf32, #tpu.memory_space<hbm>>
        %dma_start3A_88 = tpu.memref_squeeze %dma_start3A_87 : memref<1x10000x128xf32, #tpu.memory_space<hbm>> -> memref<10000x128xf32, #tpu.memory_space<hbm>>
        %dma_start3A_89 = arith.constant 9984 : i32
        %dma_start3A_90 = arith.constant 0 : i32
        %dma_start3A_91 = tpu.memref_slice %dma_start3A_88[%dma_start3A_89, %dma_start3A_90] : memref<10000x128xf32, #tpu.memory_space<hbm>> -> memref<16x128xf32, #tpu.memory_space<hbm>>
        %dma_start3A_92 = arith.constant 9984 : i32
        %dma_start3A_93 = arith.constant 0 : i32
        %dma_start3A_94 = tpu.memref_slice %arg9[%dma_start3A_92, %dma_start3A_93] : memref<10000x128xf32, #tpu.memory_space<vmem_shared>> -> memref<16x128xf32, #tpu.memory_space<vmem_shared>>
        tpu.enqueue_dma source(%dma_start3A_94 : memref<16x128xf32, #tpu.memory_space<vmem_shared>>) target(%dma_start3A_91 : memref<16x128xf32, #tpu.memory_space<hbm>>) target_semaphore(%run_scoped3A : memref<!tpu.dma_semaphore, #tpu.memory_space<semaphore_mem>>)
        %dma_wait3A = arith.constant 0 : i32
        %dma_wait3A_95 = arith.constant 0 : i32
        %dma_wait3A_96 = tpu.memref_slice %arg8[%arg0, %dma_wait3A, %dma_wait3A_95] : memref<2x10000x128xf32, #tpu.memory_space<hbm>> -> memref<1x10000x128xf32, #tpu.memory_space<hbm>>
        %dma_wait3A_97 = tpu.memref_squeeze %dma_wait3A_96 : memref<1x10000x128xf32, #tpu.memory_space<hbm>> -> memref<10000x128xf32, #tpu.memory_space<hbm>>
        %dma_wait3A_98 = arith.constant 9984 : i32
        %dma_wait3A_99 = arith.constant 0 : i32
        %dma_wait3A_100 = tpu.memref_slice %dma_wait3A_97[%dma_wait3A_98, %dma_wait3A_99] : memref<10000x128xf32, #tpu.memory_space<hbm>> -> memref<16x128xf32, #tpu.memory_space<hbm>>
        %dma_wait3A_101 = arith.constant 9984 : i32
        %dma_wait3A_102 = arith.constant 0 : i32
        %dma_wait3A_103 = tpu.memref_slice %arg9[%dma_wait3A_101, %dma_wait3A_102] : memref<10000x128xf32, #tpu.memory_space<vmem_shared>> -> memref<16x128xf32, #tpu.memory_space<vmem_shared>>
        tpu.wait_dma2 semaphore(%run_scoped3A : memref<!tpu.dma_semaphore, #tpu.memory_space<semaphore_mem>>) src(%dma_wait3A_103 : memref<16x128xf32, #tpu.memory_space<vmem_shared>>) dst(%dma_wait3A_100 : memref<16x128xf32, #tpu.memory_space<hbm>>)
        tpu.yield
      }) : () -> ()
    } else {
    }
    return
  }
}

module attributes {stable_mosaic.version = 14 : i64} {
  func.func @_tc_prep(%arg0: memref<10000x128xf32, #tpu.memory_space<vmem>>, %arg1: memref<128x128xf32, #tpu.memory_space<vmem>>, %arg2: memref<128x16xf32, #tpu.memory_space<vmem>>, %arg3: memref<16x128xf32, #tpu.memory_space<vmem>>, %arg4: memref<10000x128xf32, #tpu.memory_space<vmem>>, %arg5: memref<10000x16xf32, #tpu.memory_space<vmem>>, %arg6: memref<1x128xf32, #tpu.memory_space<vmem>>) attributes {dimension_semantics = [], scalar_prefetch = 0 : i64, scratch_operands = 0 : i64, tpu.core_type = #tpu.core_type<tc>} {
    %get3A = arith.constant 0 : index
    %get3A_0 = arith.constant 0 : index
    %get3A_1 = vector.load %arg0[%get3A, %get3A_0] : memref<10000x128xf32, #tpu.memory_space<vmem>>, vector<10000x128xf32>
    %get3A_2 = arith.constant 0 : index
    %get3A_3 = arith.constant 0 : index
    %get3A_4 = vector.load %arg1[%get3A_2, %get3A_3] : memref<128x128xf32, #tpu.memory_space<vmem>>, vector<128x128xf32>
    %dot_general3A = arith.constant dense<0.000000e+00> : vector<10000x128xf32>
    %dot_general3A_5 = tpu.matmul %get3A_1, %get3A_4, %dot_general3A {dimension_numbers = #tpu.dot_dimension_numbers<[1], [0], [0], [1], [0, 0, 1, 1], [], []>, transpose_lhs_hint = false} : vector<10000x128xf32>, vector<128x128xf32>, vector<10000x128xf32> -> vector<10000x128xf32>
    %swap3A = arith.constant 0 : index
    %swap3A_6 = arith.constant 0 : index
    %swap3A_7 = vector.load %arg4[%swap3A, %swap3A_6] : memref<10000x128xf32, #tpu.memory_space<vmem>>, vector<10000x128xf32>
    tpu.vector_store %arg4[%swap3A, %swap3A_6], %dot_general3A_5 {strides = array<i32>} : memref<10000x128xf32, #tpu.memory_space<vmem>>, vector<10000x128xf32>,
    %get3A_8 = arith.constant 0 : index
    %get3A_9 = arith.constant 0 : index
    %get3A_10 = vector.load %arg2[%get3A_8, %get3A_9] : memref<128x16xf32, #tpu.memory_space<vmem>>, vector<128x16xf32>
    %dot_general3A_11 = arith.constant dense<0.000000e+00> : vector<10000x16xf32>
    %dot_general3A_12 = tpu.matmul %dot_general3A_5, %get3A_10, %dot_general3A_11 {dimension_numbers = #tpu.dot_dimension_numbers<[1], [0], [0], [1], [0, 0, 1, 1], [], []>, transpose_lhs_hint = false} : vector<10000x128xf32>, vector<128x16xf32>, vector<10000x16xf32> -> vector<10000x16xf32>
    %swap3A_13 = arith.constant 0 : index
    %swap3A_14 = arith.constant 0 : index
    %swap3A_15 = vector.load %arg5[%swap3A_13, %swap3A_14] : memref<10000x16xf32, #tpu.memory_space<vmem>>, vector<10000x16xf32>
    tpu.vector_store %arg5[%swap3A_13, %swap3A_14], %dot_general3A_12 {strides = array<i32>} : memref<10000x16xf32, #tpu.memory_space<vmem>>, vector<10000x16xf32>,
    %reduce_max3A = arith.constant dense<0xFF800000> : vector<16xf32>
    %reduce_max3A_16 = vector.multi_reduction <maximumf>, %dot_general3A_12, %reduce_max3A [0] : vector<10000x16xf32> to vector<16xf32>
    %broadcast_in_dim3A = vector.shape_cast %reduce_max3A_16 : vector<16xf32> to vector<1x16xf32>
    %get3A_17 = arith.constant 0 : index
    %get3A_18 = arith.constant 0 : index
    %get3A_19 = vector.load %arg3[%get3A_17, %get3A_18] : memref<16x128xf32, #tpu.memory_space<vmem>>, vector<16x128xf32>
    %dot_general3A_20 = arith.constant dense<0.000000e+00> : vector<1x128xf32>
    %dot_general3A_21 = tpu.matmul %broadcast_in_dim3A, %get3A_19, %dot_general3A_20 {dimension_numbers = #tpu.dot_dimension_numbers<[1], [0], [0], [1], [0, 0, 1, 1], [], []>, transpose_lhs_hint = false} : vector<1x16xf32>, vector<16x128xf32>, vector<1x128xf32> -> vector<1x128xf32>
    %mul3A = arith.constant 2.000000e-01 : f32
    %mul3A_22 = vector.broadcast %mul3A : f32 to vector<1x128xf32>
    %mul3A_23 = arith.mulf %mul3A_22, %dot_general3A_21 : vector<1x128xf32>
    %max3A = arith.maximumf %dot_general3A_21, %mul3A_23 : vector<1x128xf32>
    %swap3A_24 = arith.constant 0 : index
    %swap3A_25 = arith.constant 0 : index
    %swap3A_26 = vector.load %arg6[%swap3A_24, %swap3A_25] : memref<1x128xf32, #tpu.memory_space<vmem>>, vector<1x128xf32>
    tpu.vector_store %arg6[%swap3A_24, %swap3A_25], %max3A {strides = array<i32>} : memref<1x128xf32, #tpu.memory_space<vmem>>, vector<1x128xf32>,
    return
  }
}

module attributes {stable_mosaic.version = 14 : i64} {
  func.func @_tc_final(%arg0: memref<2x10000x128xf32, #tpu.memory_space<vmem>>, %arg1: memref<10000x128xf32, #tpu.memory_space<vmem>>, %arg2: memref<1x128xf32, #tpu.memory_space<vmem>>, %arg3: memref<10000x128xf32, #tpu.memory_space<vmem>>) attributes {dimension_semantics = [], scalar_prefetch = 0 : i64, scratch_operands = 0 : i64, tpu.core_type = #tpu.core_type<tc>} {
    %get3A = arith.constant 0 : index
    %get3A_0 = arith.constant 0 : index
    %get3A_1 = arith.constant 0 : index
    %get3A_2 = vector.load %arg0[%get3A, %get3A_0, %get3A_1] : memref<2x10000x128xf32, #tpu.memory_space<vmem>>, vector<1x10000x128xf32>
    %get3A_3 = vector.shape_cast %get3A_2 : vector<1x10000x128xf32> to vector<10000x128xf32>
    %get3A_4 = arith.constant 1 : index
    %get3A_5 = arith.constant 0 : index
    %get3A_6 = arith.constant 0 : index
    %get3A_7 = vector.load %arg0[%get3A_4, %get3A_5, %get3A_6] : memref<2x10000x128xf32, #tpu.memory_space<vmem>>, vector<1x10000x128xf32>
    %get3A_8 = vector.shape_cast %get3A_7 : vector<1x10000x128xf32> to vector<10000x128xf32>
    %add3A = arith.addf %get3A_3, %get3A_8 : vector<10000x128xf32>
    %get3A_9 = arith.constant 0 : index
    %get3A_10 = arith.constant 0 : index
    %get3A_11 = vector.load %arg1[%get3A_9, %get3A_10] : memref<10000x128xf32, #tpu.memory_space<vmem>>, vector<10000x128xf32>
    %add3A_12 = arith.addf %add3A, %get3A_11 : vector<10000x128xf32>
    %get3A_13 = arith.constant 0 : index
    %get3A_14 = arith.constant 0 : index
    %get3A_15 = vector.load %arg2[%get3A_13, %get3A_14] : memref<1x128xf32, #tpu.memory_space<vmem>>, vector<1x128xf32>
    %add3A_16 = vector.broadcast %get3A_15 : vector<1x128xf32> to vector<10000x128xf32>
    %add3A_17 = arith.addf %add3A_12, %add3A_16 : vector<10000x128xf32>
    %swap3A = arith.constant 0 : index
    %swap3A_18 = arith.constant 0 : index
    %swap3A_19 = vector.load %arg3[%swap3A, %swap3A_18] : memref<10000x128xf32, #tpu.memory_space<vmem>>, vector<10000x128xf32>
    tpu.vector_store %arg3[%swap3A, %swap3A_18], %add3A_17 {strides = array<i32>} : memref<10000x128xf32, #tpu.memory_space<vmem>>, vector<10000x128xf32>,
    return
  }
}

</mosaic_0001>

<sc_bundles>
// kernel: kernel.5.cloned.1.call-start
scs
__scs_entry_jumppad:
0x0: {  	(pc) =	sbr.rel $0x88, $3  }
0x1: {  	(tag) =	ssettag $0x0;
	lr =	simm.s32 $0x1  }
0x2: {  	[smem:$0x3F9B] =	sst lr;
	_ =	strace $0xD0000000  }
0x3: {  	_ = 	snop  }
0x4: {  	_ = 	snop  }
0x5: {  	_ = 	snop  }
0x6: {  	_ = 	snop  }
0x7: {  	_ = 	snop  }
__scs_overlays_trampoline_lowered:
0x8: {  	[smem:$0x3FAA] =	sst s0  }
0x9: {  	[smem:$0x3FAB] =	sst s1  }
0xa: {  	[smem:$0x3FAC] =	sst s2  }
0xb: {  	[smem:$0x3FAD] =	sst s3  }
0xc: {  	[smem:$0x3FAE] =	sst s4  }
0xd: {  	[smem:$0x3FAF] =	sst s5  }
0xe: {  	[smem:$0x3FB0] =	sst s6  }
0xf: {  	[smem:$0x3FB1] =	sst s7  }
0x10: {  	[smem:$0x3FB2] =	sst s8  }
0x11: {  	[smem:$0x3FB3] =	sst s9;
	s0 =	simm.s32 @!p0 $0x0  }
0x12: {  	s1 =	sld [smem:$0x3F99];
	s0 =	simm.s32 @p0 $0x1  }
0x13: {  	[smem:$0x3FB4] =	sst s0;
	s0 =	simm.s32 @!p1 $0x0  }
0x14: {  	s2 =	sld [smem:$0x3F98];
	s0 =	simm.s32 @p1 $0x1  }
0x15: {  	[smem:$0x3FB5] =	sst s0;
	s0 =	simm.s32 @!p2 $0x0  }
0x16: {  	s3 =	sld [smem:$0x3FDB];
	s0 =	simm.s32 @p2 $0x1  }
0x17: {  	s4 =	simm.s32 $0x1BF5;
	[smem:$0x3FB7] =	sst s0  }
0x18: {  	s0 =	sld [smem:$0x3F9A];
	_ =	swait.ge [sflag:s4], $0x0  }
0x19: {  	s7 =	sld [smem:$0x3F9B]  }
0x1a: {  	s8 =	sadd.s32 $0xFFFFE003, lr  }
0x1b: {  	s9 =	sadd.s32 $0xFFFFFEF7, lr;
	s5 =	simm.s32 $0xFFFFFFFF;
	p2 =	slt.u32 s8, $0xFFFFF086  }
0x1c: {  	p1 =	slt.u32 s9, $0xF7A;
	s5 =	simm.s32 @!p2 $0x0  }
0x1d: {  	s5 =	simm.s32 @p1 $0x1;
	p0 =	seq.s32 s7, s2  }
0x1e: {  	s7 =	smul.u32 @!p0 $0xF7A, s2;
	p2 =	seq.s32 @!p0 s5, $0x0  }
0x1f: {  	s9 =	smul.u32 $0xF7A, s1;
	s8 =	simm.s32 @!p0 $0x1BF5;
	p2 =	por !p2, p0  }
0x20: {  	[sflag:s8] =	ssyncset.s32 @!p0 $0xFFFFF086;
	s6 =	sadd.s32 @!p0 s3, s7;
	s7 =	simm.s32 @!p0 $0x108  }
0x21: {  	s3 =	sadd.s32 s3, s9;
	s6 =	sadd.s32 @!p0 $0x88, s6;
	s7 =	simm.s32 @p2 $0x1082  }
0x22: {  	[simem:s7], [sflag:s8] =	dma.local @!p0 [hbm:s6], $0xF7A  }
0x23: {  	s9 =	sor.u32 $0xD0000000, s2;
	s6 =	simm.s32 $0x108;
	_ =	swait.ge @!p0 [sflag:s8], $0x0  }
0x24: {  	s3 =	sadd.s32 $0x88, s3;
	s6 =	simm.s32 @!p1 $0x1082;
	[sflag:s4] =	ssyncset.s32 $0xFFFFF086  }
0x25: {  	[simem:s6], [sflag:s4] =	dma.local [hbm:s3], $0xF7A  }
0x26: {  	[smem:$0x3F9B] =	sst s1;
	(tag) =	ssettag s2;
	_ =	strace s9  }
0x27: {  	s1 =	sld [smem:$0x3FAB]  }
0x28: {  	s2 =	sld [smem:$0x3FAC]  }
0x29: {  	s4 =	sld [smem:$0x3FAE]  }
0x2a: {  	p0 =	seq.s32 s5, $0x0;
	s5 =	sld [smem:$0x3FAF]  }
0x2b: {  	s6 =	sld [smem:$0x3FB0]  }
0x2c: {  	s7 =	sld [smem:$0x3FB1]  }
0x2d: {  	s3 =	simm.s32 $0x108;
	s8 =	sld [smem:$0x3FB2]  }
0x2e: {  	s3 =	simm.s32 @!p0 $0x1082;
	s9 =	sld [smem:$0x3FB3]  }
0x2f: {  	lr =	sadd.s32 s0, s3;
	s0 =	sld [smem:$0x3FAA]  }
0x30: {  	s3 =	sld [smem:$0x3FAD]  }
0x31: {  	[smem:$0x3FB6] =	sst s10  }
0x32: {  	s10 =	sld [smem:$0x3FB4];
	_ =	sdelay $0x3  }
0x33: {  	p0 =	seq.s32 s10, $0x1;
	s10 =	sld [smem:$0x3FB6];
	_ =	sdelay $0x3  }
0x34: {  	[smem:$0x3FB6] =	sst s10  }
0x35: {  	s10 =	sld [smem:$0x3FB5];
	_ =	sdelay $0x3  }
0x36: {  	p1 =	seq.s32 s10, $0x1;
	s10 =	sld [smem:$0x3FB6];
	_ =	sdelay $0x3  }
0x37: {  	[smem:$0x3FB6] =	sst s10  }
0x38: {  	s10 =	sld [smem:$0x3FB7]  }
0x39: {  	_ = 	snop;
	(pc) =	sbr.ind lr, $3  }
0x3a: {  	_ = 	snop  }
0x3b: {  	_ = 	snop  }
0x3c: {  	p2 =	seq.s32 s10, $0x1;
	s10 =	sld [smem:$0x3FB6]  }
0x3d: {  	_ =	shalt  }
0x3e: {  	_ =	shalt  }
0x3f: {  	_ =	shalt  }
0x40: {  	_ =	shalt  }
0x41: {  	_ =	shalt  }
0x42: {  	_ =	shalt  }
0x43: {  	_ =	shalt  }
0x44: {  	_ =	shalt  }
0x45: {  	_ =	shalt  }
0x46: {  	_ =	shalt  }
0x47: {  	_ =	shalt  }
0x48: {  	_ =	shalt  }
0x49: {  	_ =	shalt  }
0x4a: {  	_ =	shalt  }
0x4b: {  	_ =	shalt  }
0x4c: {  	_ =	shalt  }
0x4d: {  	_ =	shalt  }
0x4e: {  	_ =	shalt  }
0x4f: {  	_ =	shalt  }
0x50: {  	_ =	shalt  }
0x51: {  	_ =	shalt  }
0x52: {  	_ =	shalt  }
0x53: {  	_ =	shalt  }
0x54: {  	_ =	shalt  }
0x55: {  	_ =	shalt  }
0x56: {  	_ =	shalt  }
0x57: {  	_ =	shalt  }
0x58: {  	_ =	shalt  }
0x59: {  	_ =	shalt  }
0x5a: {  	_ =	shalt  }
0x5b: {  	_ =	shalt  }
0x5c: {  	_ =	shalt  }
0x5d: {  	_ =	shalt  }
0x5e: {  	_ =	shalt  }
0x5f: {  	_ =	shalt  }
0x60: {  	_ =	shalt  }
0x61: {  	_ =	shalt  }
0x62: {  	_ =	shalt  }
0x63: {  	_ =	shalt  }
0x64: {  	_ =	shalt  }
0x65: {  	_ =	shalt  }
0x66: {  	_ =	shalt  }
0x67: {  	_ =	shalt  }
0x68: {  	_ =	shalt  }
0x69: {  	_ =	shalt  }
0x6a: {  	_ =	shalt  }
0x6b: {  	_ =	shalt  }
0x6c: {  	_ =	shalt  }
0x6d: {  	_ =	shalt  }
0x6e: {  	_ =	shalt  }
0x6f: {  	_ =	shalt  }
0x70: {  	_ =	shalt  }
0x71: {  	_ =	shalt  }
0x72: {  	_ =	shalt  }
0x73: {  	_ =	shalt  }
0x74: {  	_ =	shalt  }
0x75: {  	_ =	shalt  }
0x76: {  	_ =	shalt  }
0x77: {  	_ =	shalt  }
0x78: {  	_ =	shalt  }
0x79: {  	_ =	shalt  }
0x7a: {  	_ =	shalt  }
0x7b: {  	_ =	shalt  }
0x7c: {  	_ =	shalt  }
0x7d: {  	_ =	shalt  }
0x7e: {  	_ =	shalt  }
0x7f: {  	_ =	shalt  }
0x80: {  	_ =	shalt  }
0x81: {  	_ =	shalt  }
0x82: {  	_ =	shalt  }
0x83: {  	_ =	shalt  }
0x84: {  	_ =	shalt  }
0x85: {  	_ =	shalt  }
0x86: {  	_ =	shalt  }
0x87: {  	_ =	shalt  }
.Lfunc_end0:
.L_simem_size_0:
called_computation_lowered:
.L_overlay_start_0:
0x88: {  	s2 =	sld [smem:$0x3FD9]  }
0x89: {  	s3 =	sld [smem:$0x3FFE];
	_ =	sdelay $0x1  }
0x8a: {  	s1 =	srdreg.scid  }
0x8b: {  	s0 =	sand.u32 $0x1, s1  }
0x8c: {  	s14 =	sshll.u32 s0, $0xA;
	s2 =	sadd.s32 s3, s2  }
0x8d: {  	s2 =	sadd.s32 s2, s14  }
0x8e: {  	[smem:$0x3FC2] =	sst s2  }
0x8f: {  	_ = 	snop  }
0x90: {  	s2 =	sld [smem:$0x3FD0];
	_ =	sdelay $0x2  }
0x91: {  	s15 =	simm.s32 $0xA;
	s4 =	simm.s32 $0x10  }
0x92: {  	[smem:s4], [sflag:s15] =	dma.local [hbm:s2], $0x1  }
0x93: {  	_ =	swait.eq [sflag:s15], $0x1  }
0x94: {  	[sflag:s15] =	ssyncset.done $0x0  }
0x95: {  	s16 =	sld [smem:$0x10];
	[sflag:s15] =	ssyncadd.s32 $0xFFFFFFFF  }
0x96: {  	s17 =	sld [smem:$0x11];
	(tm) =	ssettm $0x1  }
0x97: {  	s18 =	sld [smem:$0x3FFB];
	_ =	sdelay $0x3  }
0x98: {  	_ =	strace s18  }
0x99: {  	s4 =	sld [smem:$0x3FFC];
	_ =	sdelay $0x3  }
0x9a: {  	_ =	strace s4  }
0x9b: {  	s4 =	sld [smem:$0x3FFD];
	_ =	sdelay $0x3  }
0x9c: {  	_ =	strace s4  }
0x9d: {  	_ =	strace $0x8FFFFFFF  }
0x9e: {  	s19 =	sld [smem:$0x3FDB];
	_ =	sdelay $0x1  }
0x9f: {  	s5 =	simm.s32 $_scs_section_size  }
0xa0: {  	s6 =	simm.s32 $_size__tile_overlayer_lowered;
	s7 =	simm.s32 $_tile_overlayer_lowered  }
0xa1: {  	s22 =	simm.s32 $0x1BFF;
	s21 =	sshll.u32 s7, $0x1;
	s4 =	sadd.s32 s5, s19  }
0xa2: {  	s8 =	simm.s32 $0x0;
	s20 =	sshll.u32 s6, $0x1;
	s6 =	sadd.s32 s21, s4  }
0xa3: {  	[timem:s8], [sflag:s22] =	dma.local [hbm:s6], s20  }
0xa4: {  	_ =	swait.ge [sflag:s22], s20  }
0xa5: {  	s5 =	ssub.s32 $0x0, s20;
	[sflag:s22] =	ssyncset.done $0x0  }
0xa6: {  	[sflag:s22] =	ssyncadd.s32 s5;
	_ =	sdelay $0x1  }
0xa7: {  	s23 =	simm.s32 $0x1B8B  }
0xa8: {  	_ =	swait.ge [sflag:s23], $0x1  }
0xa9: {  	[sflag:s23] =	ssyncset.done $0x0  }
0xaa: {  	s25 =	simm.s32 $0x1B8E;
	s24 =	sld [smem:$0x3FFE];
	[sflag:s23] =	ssyncadd.s32 $0xFFFFFFFF  }
0xab: {  	s26 =	simm.s32 $execute0_lowered;
	[smem:$0x3FD2] =	sst s25  }
0xac: {  	s6 =	sshll.u32 s26, $0x1;
	_ =	strace $0x80000046;
	[dreg:$0x1] =	wrdreg $0xFFFFFFFF  }
0xad: {  	s28 =	simm.s32 $_size_execute0_lowered;
	s4 =	sadd.s32 s4, s6;
	[dreg:$0x0] =	wrdreg $0x0  }
0xae: {  	s6 =	sshll.u32 s28, $0x1;
	[dreg:$0x2] =	wrdreg s4  }
0xaf: {  	[dreg:$0x3] =	wrdreg s6  }
0xb0: {  	[dreg:$0x4] =	wrdreg $0xC0  }
0xb1: {  	_ =	task [dreg:s8], $0x5FFFF  }
0xb2: {  	[dreg:$0x1] =	wrdreg $0xFFFFFFFF  }
0xb3: {  	[dreg:$0x0] =	wrdreg $0x60  }
0xb4: {  	[dreg:$0x2] =	wrdreg s24  }
0xb5: {  	[dreg:$0x3] =	wrdreg s16  }
0xb6: {  	[dreg:$0x4] =	wrdreg s17  }
0xb7: {  	[dreg:$0x5] =	wrdreg $0x0  }
0xb8: {  	[dreg:$0x6] =	wrdreg $0x138800  }
0xb9: {  	[dreg:$0x7] =	wrdreg $0x15F900  }
0xba: {  	[dreg:$0x8] =	wrdreg $0x9  }
0xbb: {  	_ =	task.clear_ibuf [dreg:s8], $0x9FFFF;
	_ =	strace $0x90000046  }
0xbc: {  	s29 =	simm.s32 $0x9;
	_ =	strace $0x80000048  }
0xbd: {  	_ =	swait.ge [sflag:s29], $0x1  }
0xbe: {  	[sflag:s29] =	ssyncadd.s32 $0xFFFFFFFF  }
0xbf: {  	_ =	strace $0x90000048  }
0xc0: {  	_ =	sfence  }
0xc1: {  	s30 =	sld [smem:$0x0];
	_ =	sdelay $0x2  }
0xc2: {  	s31 =	sshll.u32 s1, $0xD;
	s1 =	sshrl.u32 s1, $0x2  }
0xc3: {  	s3 =	sand.u32 $0x4000, s31;
	s1 =	sadd.s32 s1, s30  }
0xc4: {  	s0 =	sor.u32 s3, s0;
	s1 =	sshll.u32 s1, $0x11  }
0xc5: {  	s0 =	sor.u32 s1, s0  }
0xc6: {  	s0 =	sadd.s32 $0x8F2B, s0  }
0xc7: {  	[sflag:s0] =	ssyncadd.remote.s32 $0x1  }
0xc8: {  	_ =	sfence.sel $0xFFFF  }
0xc9: {  	[dreg:$0x0] =	wrdreg $0xFFFFFFFF;
	(pc) =	sbr.abs _section_cstart, $3  }
0xca: {  	[dreg:$0x1] =	wrdreg $0xFFFFFFFF  }
0xcb: {  	_ =	task.clear_ibuf [dreg:s8], $0x2FFFF;
	_ =	strace $0x9FFFFFFF  }
0xcc: {  	(tm) =	ssettm $0x7FFFFFFF  }
0xcd: {  	_ =	shalt  }
tec
execute0_lowered:
.L_overlay_start_1:
0x0: {  	(tag) =	ssettag $0x1  }
0x1: {  	s0 =	rddreg [dreg:$0x0]  }
0x2: {  	s2 =	rddreg [dreg:$0x3];
	s7 =	stileid.u32  }
0x3: {  	s18 =	rddreg [dreg:$0x4];
	s1 =	smul.u32 $0x2700, s7  }
0x4: {  	s5 =	rddreg [dreg:$0x5];
	s9 =	smul.u32 $0x271, s7  }
0x5: {  	s3 =	srdreg.scid;
	s11 =	smul.u32 $0x4E200, s7  }
0x6: {  	s17 =	simm.s32 $0x0;
	s3 =	sand.u32 $0x1, s3;
	s14 =	smul.u32 $0x9C40, s7  }
0x7: {  	[smem:$0x7FF] =	sst s17;
	s10 =	sadd.s32 $0x1200, s0;
	s22 =	smul.u32 $0x13800, s7  }
0x8: {  	s13 =	sshll.u32 s7, $0x1;
	p0 =	sne.s32 s7, $0x0;
	s8 =	smul.u32 $0x27100, s3  }
0x9: {  	_ =	strace $0x80000047;
	[dreg:$0x7] =	wrdreg s10;
	s23 =	ssub.s32 $0x2, s3  }
0xa: {  	s3 =	sor.u32 s3, s13;
	s6 =	sshrl.u32 s1, $0x3;
	s12 =	sshrl.u32 s23, $0x1  }
0xb: {  	s11 =	sshrl.u32 s11, $0x2;
	s24 =	sshrl.u32 s14, $0x2;
	s25 =	sadd.s32 $0x7D, s9  }
0xc: {  	s30 =	sadd.s32 $0xFA, s9;
	s4 =	sadd.s32 $0x177, s9;
	s9 =	sadd.s32 $0x1F4, s9  }
0xd: {  	s1 =	sadd.s32 s1, s5;
	s6 =	sadd.s32 s6, s0;
	s11 =	sadd.s32 s11, s2  }
0xe: {  	s8 =	sadd.s32 s8, s0;
	s26 =	sadd.s32 s24, s18;
	[dreg:$0x8] =	wrdreg s11  }
0xf: {  	s10 =	ssub.s32 s23, s12;
	s23 =	sadd.s32 $0xC200, s0;
	[dreg:$0x9] =	wrdreg s26  }
0x10: {  	s28 =	sshll.u32 s25, $0x7;
	s1 =	sshrl.u32 s1, $0x3;
	[dreg:$0x13] =	wrdreg s23  }
0x11: {  	s15 =	sshll.u32 s4, $0x7;
	s11 =	sadd.s32 s28, s2;
	[dreg:$0x18] =	wrdreg s1  }
0x12: {  	s20 =	sshll.u32 s9, $0x7;
	s16 =	sadd.s32 s15, s2;
	[dreg:$0xa] =	wrdreg s11  }
0x13: {  	s9 =	sshll.u32 s9, $0x4;
	s21 =	sadd.s32 s20, s2;
	[dreg:$0xe] =	wrdreg s16  }
0x14: {  	s29 =	sshll.u32 s25, $0x4;
	s9 =	sadd.s32 s9, s18;
	[dreg:$0x10] =	wrdreg s21  }
0x15: {  	s24 =	smul.u32 $0x2C00, s3;
	s6 =	sadd.s32 $0xC400, s6;
	[dreg:$0x11] =	wrdreg s9  }
0x16: {  	s31 =	sshll.u32 s30, $0x7;
	s14 =	sshll.u32 s30, $0x4;
	[dreg:$0x12] =	wrdreg s6  }
0x17: {  	s19 =	sshll.u32 s4, $0x4;
	s28 =	smax.u32 s10, $0x1;
	[dreg:$0x15] =	wrdreg s24  }
0x18: {  	s25 =	sshrl.u32 s22, $0x3;
	s8 =	sadd.s32 $0xC1400, s8;
	[dreg:$0x17] =	wrdreg s28  }
0x19: {  	s1 =	sadd.s32 $0x27000, s5;
	s11 =	sadd.s32 s29, s18;
	[dreg:$0x16] =	wrdreg s8  }
0x1a: {  	s21 =	sadd.s32 $0x11400, s0;
	s0 =	sadd.s32 $0x11200, s0;
	[dreg:$0xb] =	wrdreg s11  }
0x1b: {  	s26 =	sadd.s32 s22, s2;
	s1 =	sshrl.u32 @!p0 s1, $0x3;
	[dreg:$0x14] =	wrdreg s0  }
0x1c: {  	s3 =	simm.s32 $0x0;
	s30 =	sshrl.u32 s26, $0x3;
	[dreg:$0x1a] =	wrdreg s1  }
0x1d: {  	s5 =	simm.s32 $0x19EA0;
	s11 =	sadd.s32 s31, s2;
	[dreg:$0x1c] =	wrdreg s30  }
0x1e: {  	s29 =	smul.u32 $0x5800, s7;
	s0 =	sadd.s32 s25, s8;
	[dreg:$0xc] =	wrdreg s11  }
0x1f: {  	s15 =	simm.s32 $0x2;
	s16 =	simm.s32 $0x80;
	[dreg:$0x1b] =	wrdreg s0  }
.Ltmp0:
0x20: {  	s11 =	sadd.s32 s14, s18;
	[dreg:$0x19] =	wrdreg s29;
	(pc) =	sbr.rel .LBB2_1-.Ltmp0, $4  }
0x21: {  	s7 =	simm.s32 $0x196A0;
	s31 =	ssub.s32 $0x50909, s29;
	[dreg:$0xd] =	wrdreg s11  }
0x22: {  	s0 =	sadd.s32 $0x138000, s2;
	s11 =	sadd.s32 s19, s18;
	[dreg:$0x1e] =	wrdreg s31  }
0x23: {  	v0 =	vimm.f32 $0.0e+00;
	v1 =	vlaneseq.u32;
	vm0 =	vcmask $0x1F00;
	s2 =	simm.s32 $0x4;
	s0 =	sshrl.u32 @!p0 s0, $0x3;
	[dreg:$0xf] =	wrdreg s11  }
0x24: {  	v1 =	vor.u32 $0x8, v1;
	v2 =	vsel vm0, $0x3F800000, v0;
	s14 =	simm.s32 $0x1;
	[dreg:$0x1d] =	wrdreg s0;
	s11 =	simm.s32 $0x18EA0  }
.LBB2_21:
0x25: {  	[bflag:$0x0] =	sbarrier.arrive $0xFFFF  }
0x26: {  	s3 =	sld [smem:$0x7FD]  }
0x27: {  	s0 =	rddreg [dreg:$0x1b]  }
0x28: {  	s2 =	simm.s32 $0x4;
	s1 =	rddreg [dreg:$0x1c]  }
0x29: {  	[hbm:s0], [sflag:s3] =	dma.local [spmem:s1], $0x2700  }
0x2a: {  	_ =	swait.ge [sflag:s2], $0x2700  }
0x2b: {  	[sflag:s2] =	ssyncset.done $0x0;
	s0 =	rddreg [dreg:$0x16]  }
0x2c: {  	s1 =	rddreg [dreg:$0x1d];
	[sflag:s2] =	ssyncadd.s32 $0xFFFFD900;
	s0 =	sadd.s32 @!p0 $0x27000, s0  }
0x2d: {  	[hbm:s0], [sflag:s3] =	dma.local @!p0 [spmem:s1], $0x100  }
0x2e: {  	s0 =	simm.s32 @!p0 $0x4  }
0x2f: {  	_ =	swait.ge @!p0 [sflag:s0], $0x100  }
0x30: {  	s30 =	rddreg [dreg:$0x1f]  }
0x31: {  	s31 =	rddreg [dreg:$0x17];
	s3 =	sadd.s32 $0x1, s30  }
0x32: {  	p1 =	sne.s32 s3, s31  }
.Ltmp1:
0x33: {  	_ = 	snop;
	(pc) =	sbr.rel @!p1 .LBB2_22-.Ltmp1, $3  }
0x34: {  	_ =	sdelay $0x1  }
0x35: {  	[sflag:s0] =	ssyncset.done @!p0 $0x0  }
0x36: {  	[sflag:s0] =	ssyncadd.s32 @!p0 $0xFFFFFF00  }
.LBB2_1:
0x37: {  	[dreg:$0x1f] =	wrdreg s3;
	s0 =	simm.s32 $0x19EE0  }
0x38: {  	[tilespmem:s0+$0xFFFFFFC0] =	vst v0  }
0x39: {  	[tilespmem:s0+$0xFFFFFFD0] =	vst v0  }
0x3a: {  	[tilespmem:s0+$0xFFFFFFE0] =	vst v0  }
0x3b: {  	[tilespmem:s0+$0xFFFFFFF0] =	vst v0  }
0x3c: {  	[tilespmem:s0+$0x0] =	vst v0  }
0x3d: {  	[tilespmem:s0+$0x10] =	vst v0  }
0x3e: {  	[tilespmem:s0+$0x20] =	vst v0  }
0x3f: {  	s3 =	simm.s32 $0x0;
	s1 =	simm.s32 $0x40;
	[tilespmem:s0+$0x30] =	vst v0  }
.LBB2_2:
0x40: {  	p1 =	sne.s32 s1, $0x1FC0;
	[tilespmem:s3+$0x18EA0] =	vst v0;
	s0 =	sadd.s32 $0x80, s0  }
0x41: {  	[tilespmem:s0+$0xFFFFFFC0] =	vst v0  }
0x42: {  	[tilespmem:s0+$0xFFFFFFD0] =	vst v0  }
0x43: {  	[tilespmem:s0+$0xFFFFFFE0] =	vst v0  }
.Ltmp2:
0x44: {  	[tilespmem:s0+$0xFFFFFFF0] =	vst v0;
	(pc) =	sbr.rel @p1 .LBB2_2-.Ltmp2, $4  }
0x45: {  	[tilespmem:s0+$0x0] =	vst v0  }
0x46: {  	[tilespmem:s0+$0x10] =	vst v0  }
0x47: {  	[tilespmem:s0+$0x20] =	vst v0  }
0x48: {  	s3 =	sshra.s32 s1, $0x2;
	s1 =	sadd.s32 $0x40, s1;
	[tilespmem:s0+$0x30] =	vst v0  }
0x49: {  	[tilespmem:s3+$0x18EA0] =	vst v0  }
0x4a: {  	s0 =	rddreg [dreg:$0x8]  }
0x4b: {  	[spmem:s0] =	stream.linear.scatter [tilespmem:s5], [sflag:$0x4], $0x3E80, $0x38;
	[tilespmem:$0x1DEB0] =	vst v63  }
0x4c: {  	_ =	swait.ge [sflag:s2], $0x3E80  }
0x4d: {  	[sflag:s2] =	ssyncset.done $0x0  }
0x4e: {  	s12 =	rddreg [dreg:$0x9];
	[sflag:s2] =	ssyncadd.s32 $0xFFFFC180  }
0x4f: {  	[spmem:s12] =	stream.linear.scatter [tilespmem:s11], [sflag:$0x4], $0x7D0, $0x38;
	[tilespmem:$0x1DEB0] =	vst v63  }
0x50: {  	_ =	swait.ge [sflag:s2], $0x7D0  }
0x51: {  	[sflag:s2] =	ssyncset.done $0x0  }
0x52: {  	s13 =	rddreg [dreg:$0xa];
	[sflag:s2] =	ssyncadd.s32 $0xFFFFF830  }
0x53: {  	[spmem:s13] =	stream.linear.scatter [tilespmem:s5], [sflag:$0x4], $0x3E80, $0x38;
	[tilespmem:$0x1DEB0] =	vst v63  }
0x54: {  	_ =	swait.ge [sflag:s2], $0x3E80  }
0x55: {  	[sflag:s2] =	ssyncset.done $0x0  }
0x56: {  	s19 =	rddreg [dreg:$0xb];
	[sflag:s2] =	ssyncadd.s32 $0xFFFFC180  }
0x57: {  	[spmem:s19] =	stream.linear.scatter [tilespmem:s11], [sflag:$0x4], $0x7D0, $0x38;
	[tilespmem:$0x1DEB0] =	vst v63  }
0x58: {  	_ =	swait.ge [sflag:s2], $0x7D0  }
0x59: {  	[sflag:s2] =	ssyncset.done $0x0  }
0x5a: {  	s20 =	rddreg [dreg:$0xc];
	[sflag:s2] =	ssyncadd.s32 $0xFFFFF830  }
0x5b: {  	[spmem:s20] =	stream.linear.scatter [tilespmem:s5], [sflag:$0x4], $0x3E80, $0x38;
	[tilespmem:$0x1DEB0] =	vst v63  }
0x5c: {  	_ =	swait.ge [sflag:s2], $0x3E80  }
0x5d: {  	[sflag:s2] =	ssyncset.done $0x0  }
0x5e: {  	s22 =	rddreg [dreg:$0xd];
	[sflag:s2] =	ssyncadd.s32 $0xFFFFC180  }
0x5f: {  	[spmem:s22] =	stream.linear.scatter [tilespmem:s11], [sflag:$0x4], $0x7D0, $0x38;
	[tilespmem:$0x1DEB0] =	vst v63  }
0x60: {  	_ =	swait.ge [sflag:s2], $0x7D0  }
0x61: {  	[sflag:s2] =	ssyncset.done $0x0  }
0x62: {  	s23 =	rddreg [dreg:$0xe];
	[sflag:s2] =	ssyncadd.s32 $0xFFFFF830  }
0x63: {  	[spmem:s23] =	stream.linear.scatter [tilespmem:s5], [sflag:$0x4], $0x3E80, $0x38;
	[tilespmem:$0x1DEB0] =	vst v63  }
0x64: {  	_ =	swait.ge [sflag:s2], $0x3E80  }
0x65: {  	[sflag:s2] =	ssyncset.done $0x0  }
0x66: {  	s24 =	rddreg [dreg:$0xf];
	[sflag:s2] =	ssyncadd.s32 $0xFFFFC180  }
0x67: {  	[spmem:s24] =	stream.linear.scatter [tilespmem:s11], [sflag:$0x4], $0x7D0, $0x38;
	[tilespmem:$0x1DEB0] =	vst v63  }
0x68: {  	_ =	swait.ge [sflag:s2], $0x7D0  }
0x69: {  	[sflag:s2] =	ssyncset.done $0x0  }
0x6a: {  	s25 =	rddreg [dreg:$0x10];
	[sflag:s2] =	ssyncadd.s32 $0xFFFFF830  }
0x6b: {  	[spmem:s25] =	stream.linear.scatter [tilespmem:s5], [sflag:$0x4], $0x3E80, $0x38;
	[tilespmem:$0x1DEB0] =	vst v63  }
0x6c: {  	_ =	swait.ge [sflag:s2], $0x3E80  }
0x6d: {  	[sflag:s2] =	ssyncset.done $0x0  }
0x6e: {  	s26 =	rddreg [dreg:$0x11];
	[sflag:s2] =	ssyncadd.s32 $0xFFFFC180  }
0x6f: {  	[spmem:s26] =	stream.linear.scatter [tilespmem:s11], [sflag:$0x4], $0x7D0, $0x38;
	[tilespmem:$0x1DEB0] =	vst v63  }
0x70: {  	s28 =	stileid.u32;
	_ =	swait.ge [sflag:s2], $0x7D0  }
0x71: {  	s0 =	sshll.u32 s28, $0x6;
	[sflag:s2] =	ssyncset.done $0x0;
	s29 =	rddreg [dreg:$0x12]  }
0x72: {  	s3 =	sor.u32 $0x1C04, s0;
	s1 =	rddreg [dreg:$0x18];
	[sflag:s2] =	ssyncadd.s32 $0xFFFFF830  }
0x73: {  	[spmem:s1], [sflag:s3] =	dma.local [hbm:s29], $0x4E0  }
0x74: {  	_ =	swait.ge [sflag:s2], $0x4E0  }
0x75: {  	s0 =	rddreg [dreg:$0x14]  }
0x76: {  	[sflag:s2] =	ssyncset.done $0x0;
	s1 =	rddreg [dreg:$0x1a]  }
0x77: {  	[smem:$0x7FD] =	sst s3;
	[sflag:s2] =	ssyncadd.s32 $0xFFFFFB20  }
0x78: {  	[spmem:s1], [sflag:s3] =	dma.local @!p0 [hbm:s0], $0x20  }
0x79: {  	s0 =	simm.s32 @!p0 $0x4  }
0x7a: {  	_ =	swait.ge @!p0 [sflag:s0], $0x20  }
0x7b: {  	s31 =	simm.s32 $0x1DEA0;
	[sflag:s0] =	ssyncset.done @!p0 $0x0  }
0x7c: {  	s22 =	simm.s32 $0x0;
	s30 =	rddreg [dreg:$0x13];
	[sflag:s0] =	ssyncadd.s32 @!p0 $0xFFFFFFE0  }
0x7d: {  	[tilespmem:s31], [sflag:$0x4] =	stream.linear.gather [hbm4b:s30+s22], $0x10, $0x38;
	[tilespmem:$0x1DEB0] =	vst v63  }
0x7e: {  	_ =	swait.ge [sflag:s2], $0x10  }
0x7f: {  	[sflag:s2] =	ssyncset.done $0x0  }
.Ltmp3:
0x80: {  	[sflag:s2] =	ssyncadd.s32 $0xFFFFFFF0;
	(pc) =	sbr.rel .LBB2_4-.Ltmp3, $3  }
0x81: {  	[bflag:$0x0] =	sbarrier.arrive $0xFFFF  }
0x82: {  	v3 =	vld [tilespmem:$0x1DEA0];
	_ =	sdelay $0x1  }
0x83: {  	s25 =	rddreg [dreg:$0x1e]  }
.LBB2_11:
0x84: {  	s22 =	sadd.s32 $0x1, s22  }
0x85: {  	p1 =	sne.s32 s22, $0x16  }
.Ltmp4:
0x86: {  	_ = 	snop;
	(pc) =	sbr.rel @!p1 .LBB2_12-.Ltmp4, $2  }
0x87: {  	_ =	sdelay $0x2  }
0x88: {  	s25 =	sadd.s32 $0xFFFFFC00, s25  }
.LBB2_4:
0x89: {  	s0 =	sshll.u32 s22, $0xA;
	s1 =	rddreg [dreg:$0x19]  }
0x8a: {  	s26 =	sadd.s32 s1, s0  }
0x8b: {  	p1 =	sgt.u32 s26, $0x5090F  }
.Ltmp5:
0x8c: {  	_ = 	snop;
	(pc) =	sbr.rel @p1 .LBB2_11-.Ltmp5, $1  }
0x8d: {  	_ =	sdelay $0x3  }
0x8e: {  	s0 =	sshrl.u32 s26, $0x3;
	s1 =	rddreg [dreg:$0x2];
	s29 =	simm.s32 $0x0  }
0x8f: {  	s2 =	simm.s32 $0x186A0;
	s30 =	rddreg [dreg:$0x7];
	s1 =	sadd.s32 s1, s0  }
0x90: {  	[tilespmem:s2], [sflag:$0x1] =	stream.linear.gather [hbm4b:s1+s29], $0x400, $0x38;
	[tilespmem:$0x1DEB0] =	vst v63  }
0x91: {  	s31 =	simm.s32 $0x18AA0;
	s0 =	sadd.s32 s30, s0  }
0x92: {  	[tilespmem:s31], [sflag:$0x2] =	stream.linear.gather [hbm4b:s0+s29], $0x400, $0x38;
	[tilespmem:$0x1DEB0] =	vst v63  }
0x93: {  	_ =	swait.ge [sflag:s14], $0x400  }
.Ltmp6:
0x94: {  	[sflag:s14] =	ssyncset.done $0x0;
	(pc) =	sbr.rel .LBB2_6-.Ltmp6, $4  }
0x95: {  	[sflag:s14] =	ssyncadd.s32 $0xFFFFFC00  }
0x96: {  	_ =	swait.ge [sflag:s15], $0x400  }
0x97: {  	[sflag:s15] =	ssyncset.done $0x0  }
0x98: {  	s6 =	smov.u32 s25;
	[sflag:s15] =	ssyncadd.s32 $0xFFFFFC00  }
.LBB2_9:
0x99: {  	(erf) = vpow2.f32 v38;
	_ =	sdelay $0x1  }
0x9a: {  	v36 =	vmul.f32 $1.442695020e+00, v36;
	v57 =	vmul.f32 $2.000000030e-01, v19  }
0x9b: {  	v34 =	vperm.xlane v34, v1;
	v7 =	vmul.f32 v32, v7  }
0x9c: {  	v22 =	vmul.f32 $1.442695020e+00, v22;
	(erf) = vpow2.f32 v40  }
0x9d: {  	v58 =	vpop (erf);
	v61 =	vmul.f32 $2.000000030e-01, v23;
	(erf) = vpow2.f32 v33  }
0x9e: {  	v62 =	vmul.f32 $2.000000030e-01, v28;
	(erf) = vpow2.f32 v24  }
0x9f: {  	v39 =	vadd.f32 v41, v39;
	v20 =	vmul.f32 v27, v20;
	(erf) = vpow2.f32 v29  }
0xa0: {  	v60 =	vadd.f32 v34, v37;
	v34 =	vmax.f32 v28, v62;
	v37 =	vpop (erf);
	(erf) = vpow2.f32 v22  }
0xa1: {  	v19 =	vmax.f32 v19, v57;
	v27 =	vsub.f32 v34, v3;
	v40 =	vpop (erf);
	(erf) = vpow2.f32 v36  }
0xa2: {  	v17 =	vmul.f32 v26, v17;
	v9 =	vmul.f32 v25, v9;
	v19 =	vsub.f32 v19, v3  }
0xa3: {  	v31 =	vmax.f32 v31, v35;
	s28 =	smin.f32 s8, $1.000000000e+00;
	v30 =	vmul.f32 v58, v30;
	v27 =	vmul.f32 $1.442695020e+00, v27  }
0xa4: {  	v18 =	vsub.f32 v18, v3;
	v47 =	vmul.f32 s28, v2;
	v19 =	vmul.f32 $1.442695020e+00, v19  }
0xa5: {  	v31 =	vsub.f32 v31, v3;
	v59 =	vmul.f32 $2.000000030e-01, v39;
	(erf) = vpow2.f32 v27;
	v44 =	vpop (erf)  }
0xa6: {  	v18 =	vmul.f32 $1.442695020e+00, v18;
	(erf) = vpow2.f32 v19;
	v46 =	vpop (erf)  }
0xa7: {  	[tilespmem:s30+$0x10] =	vst v21;
	v23 =	vmax.f32 v23, v61;
	v38 =	vmul.f32 $1.442695020e+00, v31;
	v42 =	vmul.f32 $2.000000030e-01, v60;
	v48 =	vpop (erf)  }
0xa8: {  	[tilespmem:s24+$0xFFFFFFC0] =	vst v20;
	v51 =	vsub.f32 v23, v3;
	v41 =	vmax.f32 v39, v59;
	(erf) = vpow2.f32 v18;
	v50 =	vpop (erf)  }
0xa9: {  	[tilespmem:s30+$0xFFFFFFD0] =	vst v7;
	v43 =	vsub.f32 v41, v3;
	v45 =	vmax.f32 v60, v42;
	v4 =	vmul.f32 v44, v4;
	v52 =	vpop (erf)  }
0xaa: {  	[tilespmem:s24+$0x0] =	vst v17;
	v8 =	vmul.f32 v37, v8;
	v19 =	vsub.f32 v45, v3;
	(erf) = vpow2.f32 v38;
	v53 =	vpop (erf)  }
0xab: {  	v49 =	vmul.f32 $1.442695020e+00, v43;
	[tilespmem:s30+$0x30] =	vst v4;
	v4 =	vmul.f32 v53, v47  }
0xac: {  	[tilespmem:s30+$0xFFFFFFE0] =	vst v9;
	v54 =	vmul.f32 $1.442695020e+00, v51;
	v19 =	vmul.f32 $1.442695020e+00, v19  }
0xad: {  	s0 =	smax.f32 s0, $0.0e+00;
	[tilespmem:s24+$0x20] =	vst v30;
	v5 =	vmul.f32 v48, v5;
	(erf) = vpow2.f32 v49  }
0xae: {  	s0 =	smin.f32 s0, $1.000000000e+00;
	[tilespmem:s24+$0x10] =	vst v8;
	v6 =	vmul.f32 v40, v6;
	(erf) = vpow2.f32 v19;
	v57 =	vpop (erf)  }
0xaf: {  	v63 =	vmul.f32 s0, v2;
	(erf) = vpow2.f32 v54;
	[tilespmem:s20+$0x20] =	vst v4;
	v4 =	vpop (erf)  }
0xb0: {  	[tilespmem:s30+$0xFFFFFFF0] =	vst v6;
	v4 =	vmul.f32 v4, v10  }
0xb1: {  	v55 =	vmul.f32 s23, v2;
	v56 =	vmul.f32 v46, v63;
	[tilespmem:s24+$0xFFFFFFD0] =	vst v5;
	v5 =	vpop (erf)  }
0xb2: {  	[tilespmem:s24+$0xFFFFFFF0] =	vst v4;
	v4 =	vmul.f32 v5, v11  }
0xb3: {  	[tilespmem:s20+$0xFFFFFFC0] =	vst v56;
	v58 =	vmul.f32 v50, v55;
	v59 =	vpop (erf)  }
0xb4: {  	v6 =	vmul.f32 v52, v12;
	[tilespmem:s24+$0x30] =	vst v4;
	v4 =	vmul.f32 v59, v13  }
0xb5: {  	v61 =	vmul.f32 s10, v2;
	[tilespmem:s20+$0x0] =	vst v58;
	v60 =	vmul.f32 v57, v14  }
0xb6: {  	[tilespmem:s24+$0xFFFFFFE0] =	vst v6;
	v5 =	vpop (erf)  }
0xb7: {  	[tilespmem:s20+$0x10] =	vst v60;
	v62 =	vpop (erf);
	v5 =	vmul.f32 v5, v61  }
0xb8: {  	v63 =	vmul.f32 v62, v16;
	[tilespmem:s20+$0xFFFFFFD0] =	vst v4;
	v4 =	vpop (erf)  }
0xb9: {  	[tilespmem:s20+$0xFFFFFFE0] =	vst v5;
	v4 =	vmul.f32 v4, v15  }
0xba: {  	s31 =	sshll.u32 s31, $0x1;
	[tilespmem:s20+$0xFFFFFFF0] =	vst v63  }
0xbb: {  	s17 =	simm.s32 $0x0;
	s0 =	sadd.s32 s21, s31;
	[tilespmem:s20+$0x30] =	vst v4  }
0xbc: {  	[hbm4b:s0+s17] =	stream.linear.scatter [tilespmem:s11], [sflag:$0x1], $0x800, $0x38;
	[tilespmem:$0x1DEB0] =	vst v63  }
0xbd: {  	_ = 	snop  }
0xbe: {  	[spmem:s18] =	stream.indirect.scatter.add.f32 [tilespmem:s11], [sflag:$0x2], $0x10, s3, s16, $0xb8;
	[tilespmem:$0x1DEB0] =	vst v63  }
0xbf: {  	_ =	swait.ge [sflag:s14], $0x800  }
0xc0: {  	[sflag:s14] =	ssyncset.done $0x0  }
0xc1: {  	[sflag:s14] =	ssyncadd.s32 $0xFFFFF800  }
0xc2: {  	_ =	swait.ge [sflag:s15], $0x800  }
0xc3: {  	[sflag:s15] =	ssyncset.done $0x0  }
0xc4: {  	s5 =	simm.s32 $0x19EA0;
	s7 =	simm.s32 $0x196A0;
	[sflag:s15] =	ssyncadd.s32 $0xFFFFF800  }
.LBB2_10:
0xc5: {  	s29 =	sadd.s32 $0x1, s29  }
0xc6: {  	p1 =	sne.s32 s29, $0x8  }
.Ltmp7:
0xc7: {  	_ = 	snop;
	(pc) =	sbr.rel @!p1 .LBB2_11-.Ltmp7, $2  }
0xc8: {  	_ =	sdelay $0x2  }
0xc9: {  	s6 =	sadd.s32 $0xFFFFFF80, s6  }
.LBB2_6:
0xca: {  	s0 =	sshll.u32 s29, $0x7  }
0xcb: {  	s31 =	sor.u32 s26, s0  }
0xcc: {  	p1 =	sgt.u32 s31, $0x5090F  }
.Ltmp8:
0xcd: {  	_ = 	snop;
	(pc) =	sbr.rel @p1 .LBB2_10-.Ltmp8, $1  }
0xce: {  	_ =	sdelay $0x3  }
0xcf: {  	s1 =	sadd.s32 $0x186A0, s0;
	s2 =	rddreg [dreg:$0x5]  }
0xd0: {  	[tilespmem:s11], [sflag:$0x1] =	stream.indirect.gather [spmem:s2], $0x10, s1, s16, $0xb8;
	[tilespmem:$0x1DEB0] =	vst v63  }
0xd1: {  	s3 =	sadd.s32 $0x18AA0, s0  }
0xd2: {  	[tilespmem:s7], [sflag:$0x2] =	stream.indirect.gather [spmem:s2], $0x10, s3, s16, $0xb8;
	[tilespmem:$0x1DEB0] =	vst v63  }
0xd3: {  	_ =	swait.ge [sflag:s14], $0x800  }
0xd4: {  	[sflag:s14] =	ssyncset.done $0x0  }
0xd5: {  	[sflag:s14] =	ssyncadd.s32 $0xFFFFF800  }
0xd6: {  	_ =	swait.ge [sflag:s15], $0x800  }
0xd7: {  	[sflag:s15] =	ssyncset.done $0x0  }
0xd8: {  	s13 =	simm.s32 $0x196E0;
	[sflag:s15] =	ssyncadd.s32 $0xFFFFF800  }
0xd9: {  	s30 =	simm.s32 $0x18EE0;
	v4 =	vld [tilespmem:s13+$0xFFFFFFC0]  }
0xda: {  	v5 =	vld [tilespmem:s30+$0x20]  }
0xdb: {  	v6 =	vld [tilespmem:s13+$0x10]  }
0xdc: {  	v7 =	vld [tilespmem:s13+$0x20]  }
0xdd: {  	v8 =	vld [tilespmem:s13+$0x0]  }
0xde: {  	s8 =	sadd.s32 $0x2, s6;
	v9 =	vld [tilespmem:s30+$0xFFFFFFC0]  }
0xdf: {  	s8 =	scvt.s32.f32 s8;
	v10 =	vld [tilespmem:s30+$0x0]  }
0xe0: {  	s17 =	sadd.s32 $0x6, s6;
	v11 =	vld [tilespmem:s13+$0xFFFFFFD0]  }
0xe1: {  	s1 =	scvt.s32.f32 s17;
	s8 =	smax.f32 s8, $0.0e+00;
	v12 =	vld [tilespmem:s30+$0xFFFFFFD0]  }
0xe2: {  	s8 =	smin.f32 s8, $1.000000000e+00;
	v14 =	vld [tilespmem:s13+$0x30]  }
0xe3: {  	s1 =	smax.f32 s1, $0.0e+00;
	v21 =	vmul.f32 s8, v2;
	v13 =	vperm.xlane v7, v1  }
0xe4: {  	s10 =	scvt.s32.f32 s6;
	s19 =	sadd.s32 $0x4, s6;
	s1 =	smin.f32 s1, $1.000000000e+00;
	v15 =	vld [tilespmem:s30+$0x10];
	v4 =	vperm.xlane v4, v1;
	v8 =	vperm.xlane v8, v1  }
0xe5: {  	v7 =	vmul.f32 s1, v2;
	s1 =	scvt.s32.f32 s19;
	v11 =	vperm.xlane v11, v1;
	v5 =	vadd.f32 v13, v5  }
0xe6: {  	s10 =	smax.f32 s10, $0.0e+00;
	v13 =	vperm.xlane v6, v1;
	v6 =	vadd.f32 v4, v9;
	v8 =	vadd.f32 v8, v10;
	v9 =	vld [tilespmem:s13+$0xFFFFFFE0]  }
0xe7: {  	s20 =	sadd.s32 $0x5, s6;
	s10 =	smin.f32 s10, $1.000000000e+00;
	v14 =	vperm.xlane v14, v1;
	v10 =	vld [tilespmem:s30+$0x30];
	s1 =	smax.f32 s1, $0.0e+00;
	v11 =	vadd.f32 v11, v12;
	v16 =	vmul.f32 $2.000000030e-01, v5  }
0xe8: {  	v12 =	vld [tilespmem:s13+$0xFFFFFFF0];
	s13 =	sadd.s32 $0x7, s6;
	s2 =	smin.f32 s1, $1.000000000e+00;
	s1 =	sadd.s32 $0xFFFFFFF8, s6;
	v17 =	vmul.f32 $2.000000030e-01, v6;
	v18 =	vmul.f32 $2.000000030e-01, v8  }
0xe9: {  	s12 =	sadd.s32 $0x3, s6;
	v19 =	vld [tilespmem:s30+$0xFFFFFFE0];
	v4 =	vmul.f32 s10, v2;
	s13 =	scvt.s32.f32 s13;
	v20 =	vmul.f32 $2.000000030e-01, v11;
	s4 =	sadd.s32 $0x6, s1;
	v13 =	vadd.f32 v13, v15  }
0xea: {  	s24 =	simm.s32 $0x18F60;
	s23 =	scvt.s32.f32 s12;
	s12 =	scvt.s32.f32 s4;
	v5 =	vmax.f32 v5, v16;
	v6 =	vmax.f32 v6, v17;
	v8 =	vmax.f32 v8, v18  }
0xeb: {  	s28 =	simm.s32 $0x19760;
	s8 =	scvt.s32.f32 s20;
	v22 =	vld [tilespmem:s24+$0x20];
	s7 =	smax.f32 s13, $0.0e+00;
	v29 =	vmul.f32 $2.000000030e-01, v13;
	v17 =	vsub.f32 v6, v3;
	v8 =	vsub.f32 v8, v3  }
0xec: {  	v18 =	vld [tilespmem:s28+$0xFFFFFFC0];
	v9 =	vperm.xlane v9, v1;
	v6 =	vmul.f32 s2, v2;
	v5 =	vsub.f32 v5, v3;
	s5 =	smax.f32 s12, $0.0e+00;
	s12 =	smin.f32 s7, $1.000000000e+00  }
0xed: {  	s8 =	smax.f32 s8, $0.0e+00;
	v16 =	vld [tilespmem:s30+$0xFFFFFFF0];
	v10 =	vadd.f32 v14, v10;
	v12 =	vperm.xlane v12, v1;
	v28 =	vmul.f32 s12, v2  }
0xee: {  	s8 =	smin.f32 s8, $1.000000000e+00;
	v24 =	vld [tilespmem:s28+$0x30];
	v17 =	vmul.f32 $1.442695020e+00, v17;
	v23 =	vmul.f32 $1.442695020e+00, v8;
	v8 =	vadd.f32 v9, v19  }
0xef: {  	v25 =	vld [tilespmem:s28+$0x20];
	v14 =	vmul.f32 $1.442695020e+00, v5;
	v9 =	vmul.f32 s8, v2  }
0xf0: {  	v26 =	vld [tilespmem:s28+$0x0];
	v5 =	vmax.f32 v11, v20;
	v20 =	vmul.f32 $2.000000030e-01, v10;
	v15 =	vmul.f32 $2.000000030e-01, v8  }
0xf1: {  	v30 =	vld [tilespmem:s24+$0x0];
	s10 =	smax.f32 s23, $0.0e+00;
	v13 =	vmax.f32 v13, v29;
	s8 =	smin.f32 s5, $1.000000000e+00;
	(erf) = vpow2.f32 v17;
	v11 =	vperm.xlane v18, v1  }
0xf2: {  	s10 =	smin.f32 s10, $1.000000000e+00;
	s19 =	sadd.s32 $0x2, s1;
	s12 =	sadd.s32 $0x4, s1;
	v17 =	vld [tilespmem:s28+$0xFFFFFFD0];
	v18 =	vsub.f32 v5, v3;
	v5 =	vmul.f32 s8, v2;
	v27 =	vadd.f32 v12, v16  }
0xf3: {  	s19 =	scvt.s32.f32 s19;
	s13 =	scvt.s32.f32 s12;
	v16 =	vmul.f32 s10, v2;
	v12 =	vld [tilespmem:s24+$0xFFFFFFC0];
	v31 =	vmax.f32 v10, v20;
	v20 =	vperm.xlane v24, v1  }
0xf4: {  	v13 =	vsub.f32 v13, v3;
	v10 =	vperm.xlane v25, v1;
	(erf) = vpow2.f32 v23;
	v23 =	vld [tilespmem:s24+$0x30]  }
0xf5: {  	s9 =	smax.f32 s19, $0.0e+00;
	v24 =	vld [tilespmem:s24+$0xFFFFFFD0];
	s8 =	smax.f32 s13, $0.0e+00;
	v25 =	vmul.f32 $1.442695020e+00, v18;
	v18 =	vperm.xlane v26, v1  }
0xf6: {  	v19 =	vld [tilespmem:s28+$0x10];
	s10 =	smin.f32 s9, $1.000000000e+00;
	v13 =	vmul.f32 $1.442695020e+00, v13;
	s8 =	smin.f32 s8, $1.000000000e+00;
	v15 =	vmax.f32 v8, v15;
	v22 =	vadd.f32 v10, v22  }
0xf7: {  	s19 =	sadd.s32 $0x1, s6;
	v8 =	vmul.f32 s10, v2;
	v10 =	vmul.f32 s8, v2;
	v18 =	vadd.f32 v18, v30  }
0xf8: {  	s20 =	scvt.s32.f32 s19;
	v26 =	vmul.f32 $2.000000030e-01, v22;
	v30 =	vld [tilespmem:s28+$0xFFFFFFE0];
	v17 =	vperm.xlane v17, v1;
	v12 =	vadd.f32 v11, v12  }
0xf9: {  	v32 =	vld [tilespmem:s24+$0x10];
	s17 =	scvt.s32.f32 s1;
	(erf) = vpow2.f32 v14;
	v23 =	vadd.f32 v20, v23;
	v20 =	vmul.f32 $2.000000030e-01, v18  }
0xfa: {  	s8 =	smax.f32 s20, $0.0e+00;
	v29 =	vmul.f32 $2.000000030e-01, v12;
	v14 =	vadd.f32 v17, v24;
	v17 =	vmax.f32 v22, v26;
	v22 =	vld [tilespmem:s24+$0xFFFFFFE0]  }
0xfb: {  	s10 =	smax.f32 s17, $0.0e+00;
	v15 =	vsub.f32 v15, v3;
	v19 =	vperm.xlane v19, v1;
	s8 =	smin.f32 s8, $1.000000000e+00;
	(erf) = vpow2.f32 v13;
	v24 =	vld [tilespmem:s28+$0xFFFFFFF0]  }
0xfc: {  	s10 =	smin.f32 s10, $1.000000000e+00;
	v18 =	vmax.f32 v18, v20;
	v20 =	vmul.f32 s8, v2;
	s8 =	simm.s32 $0x197E0;
	v12 =	vmax.f32 v12, v29;
	v29 =	vld [tilespmem:s24+$0xFFFFFFF0]  }
0xfd: {  	s23 =	sadd.s32 $0x5, s1;
	v11 =	vmul.f32 s10, v2;
	v17 =	vsub.f32 v17, v3;
	v13 =	vperm.xlane v30, v1;
	v30 =	vld [tilespmem:s8+$0xFFFFFFC0]  }
0xfe: {  	s2 =	sadd.s32 $0x3, s1;
	v15 =	vmul.f32 $1.442695020e+00, v15;
	s28 =	scvt.s32.f32 s23;
	v26 =	vmul.f32 $2.000000030e-01, v14;
	v18 =	vsub.f32 v18, v3;
	v55 =	vld [tilespmem:s8+$0x10]  }
0xff: {  	s10 =	scvt.s32.f32 s2;
	v36 =	vpop (erf);
	v39 =	vld [tilespmem:s8+$0x20];
	v12 =	vsub.f32 v12, v3;
	v35 =	vmul.f32 $1.442695020e+00, v17;
	v17 =	vmul.f32 $2.000000030e-01, v27  }
0x100: {  	v32 =	vadd.f32 v19, v32;
	s0 =	smax.f32 s28, $0.0e+00;
	v40 =	vld [tilespmem:s8+$0xFFFFFFD0];
	v37 =	vpop (erf);
	v28 =	vmul.f32 v36, v28;
	v34 =	vmul.f32 $1.442695020e+00, v18  }
0x101: {  	s10 =	smax.f32 s10, $0.0e+00;
	v56 =	vld [tilespmem:s8+$0x0];
	s0 =	smin.f32 s0, $1.000000000e+00;
	v37 =	vmul.f32 v37, v16;
	v33 =	vmul.f32 $1.442695020e+00, v12;
	v18 =	vadd.f32 v13, v22  }
0x102: {  	s10 =	smin.f32 s10, $1.000000000e+00;
	v13 =	vmax.f32 v14, v26;
	v14 =	vperm.xlane v24, v1;
	v12 =	vmul.f32 s0, v2  }
0x103: {  	s13 =	sadd.s32 $0xFFFFFFF8, s1;
	v27 =	vmax.f32 v27, v17;
	v17 =	vmul.f32 s10, v2;
	v22 =	vmul.f32 $2.000000030e-01, v18  }
0x104: {  	s5 =	sadd.s32 $0x7, s1;
	s4 =	sadd.s32 $0x6, s13;
	(erf) = vpow2.f32 v33;
	v19 =	vadd.f32 v14, v29;
	v29 =	vperm.xlane v30, v1  }
0x105: {  	s7 =	scvt.s32.f32 s5;
	s9 =	sadd.s32 $0x2, s13;
	v43 =	vsub.f32 v31, v3;
	s12 =	scvt.s32.f32 s4;
	v42 =	vperm.xlane v55, v1;
	v58 =	vperm.xlane v39, v1  }
0x106: {  	s20 =	simm.s32 $0x18FE0;
	s19 =	scvt.s32.f32 s9;
	s28 =	sadd.s32 $0x4, s13;
	v24 =	vsub.f32 v13, v3;
	v59 =	vperm.xlane v56, v1;
	v60 =	vperm.xlane v40, v1  }
0x107: {  	s12 =	smax.f32 s12, $0.0e+00;
	v26 =	vld [tilespmem:s20+$0x20];
	s10 =	scvt.s32.f32 s28;
	v41 =	vsub.f32 v27, v3;
	v40 =	vmul.f32 $1.442695020e+00, v43;
	(erf) = vpow2.f32 v25  }
0x108: {  	s12 =	smin.f32 s12, $1.000000000e+00;
	s0 =	smax.f32 s7, $0.0e+00;
	v27 =	vld [tilespmem:s20+$0x0];
	v13 =	vpop (erf);
	v25 =	vmul.f32 $2.000000030e-01, v32;
	v14 =	vmax.f32 v18, v22;
	v18 =	vmul.f32 $2.000000030e-01, v23  }
0x109: {  	s0 =	smin.f32 s0, $1.000000000e+00;
	v30 =	vld [tilespmem:s8+$0x30];
	s10 =	smax.f32 s10, $0.0e+00;
	v24 =	vmul.f32 $1.442695020e+00, v24;
	v38 =	vmul.f32 v13, v20  }
0x10a: {  	s17 =	smax.f32 s19, $0.0e+00;
	s4 =	smin.f32 s10, $1.000000000e+00;
	v13 =	vmul.f32 s12, v2;
	v20 =	vmul.f32 s0, v2;
	v18 =	vmax.f32 v23, v18;
	v23 =	vld [tilespmem:s20+$0xFFFFFFC0]  }
0x10b: {  	v31 =	vld [tilespmem:s20+$0xFFFFFFD0];
	s19 =	smin.f32 s17, $1.000000000e+00;
	(erf) = vpow2.f32 v34;
	v16 =	vmul.f32 s4, v2  }
0x10c: {  	v57 =	vld [tilespmem:s20+$0x30];
	v22 =	vsub.f32 v14, v3;
	v14 =	vmul.f32 s19, v2;
	v25 =	vmax.f32 v32, v25  }
0x10d: {  	v46 =	vpop (erf);
	(erf) = vpow2.f32 v15;
	v26 =	vadd.f32 v58, v26;
	v27 =	vadd.f32 v59, v27  }
0x10e: {  	s1 =	sadd.s32 $0x1, s1;
	s23 =	scvt.s32.f32 s13;
	v21 =	vmul.f32 v46, v21;
	v25 =	vsub.f32 v25, v3;
	(erf) = vpow2.f32 v35  }
0x10f: {  	s5 =	sadd.s32 $0x5, s13;
	s2 =	scvt.s32.f32 s1;
	v30 =	vperm.xlane v30, v1;
	v62 =	vmul.f32 $2.000000030e-01, v27;
	v29 =	vadd.f32 v29, v23  }
0x110: {  	s1 =	scvt.s32.f32 s5;
	v45 =	vld [tilespmem:s8+$0xFFFFFFE0];
	s0 =	smax.f32 s23, $0.0e+00;
	v31 =	vadd.f32 v60, v31;
	v61 =	vmul.f32 $2.000000030e-01, v26;
	v25 =	vmul.f32 $1.442695020e+00, v25  }
0x111: {  	s9 =	sadd.s32 $0x1, s13;
	v44 =	vld [tilespmem:s20+$0x10];
	s7 =	sadd.s32 $0x3, s13;
	s0 =	smin.f32 s0, $1.000000000e+00;
	v32 =	vmax.f32 v27, v62;
	v23 =	vadd.f32 v30, v57;
	v30 =	vmul.f32 $2.000000030e-01, v29  }
0x112: {  	s17 =	smax.f32 s1, $0.0e+00;
	s1 =	simm.s32 $0x19060;
	v39 =	vld [tilespmem:s20+$0xFFFFFFE0];
	s23 =	scvt.s32.f32 s7;
	v15 =	vmul.f32 s0, v2;
	v35 =	vmul.f32 $2.000000030e-01, v31  }
0x113: {  	s28 =	sadd.s32 $0x7, s13;
	s12 =	scvt.s32.f32 s9;
	v34 =	vld [tilespmem:s8+$0xFFFFFFF0];
	s0 =	smax.f32 s2, $0.0e+00;
	(erf) = vpow2.f32 v25;
	v25 =	vmax.f32 v26, v61;
	v27 =	vpop (erf);
	v29 =	vmax.f32 v29, v30  }
0x114: {  	s13 =	sadd.s32 $0xFFFFFFF8, s13;
	s10 =	smin.f32 s17, $1.000000000e+00;
	[tilespmem:s30+$0x20] =	vst v38;
	v38 =	vmul.f32 $1.442695020e+00, v41;
	s0 =	smin.f32 s0, $1.000000000e+00;
	v63 =	vsub.f32 v32, v3;
	v32 =	vpop (erf);
	v29 =	vsub.f32 v29, v3  }
0x115: {  	[tilespmem:s30+$0x0] =	vst v37;
	v37 =	vld [tilespmem:s20+$0xFFFFFFF0];
	s19 =	simm.s32 $0x10;
	s23 =	smax.f32 s23, $0.0e+00;
	s8 =	smax.f32 s12, $0.0e+00;
	v41 =	vperm.xlane v45, v1;
	v36 =	vsub.f32 v25, v3;
	v26 =	vpop (erf);
	v30 =	vmul.f32 s0, v2  }
0x116: {  	[tilespmem:s30+$0xFFFFFFC0] =	vst v28;
	v28 =	vadd.f32 v42, v44;
	s12 =	simm.s32 $0x19860;
	s23 =	smin.f32 s23, $1.000000000e+00;
	v25 =	vpop (erf);
	s0 =	scvt.s32.f32 s28;
	v33 =	vmul.f32 $1.442695020e+00, v29;
	v29 =	vmul.f32 $1.442695020e+00, v63  }
.LBB2_8:
0x117: {  	v42 =	vld [tilespmem:s12+$0xFFFFFFC0];
	s28 =	sadd.s32 $0x6, s13;
	s2 =	sadd.s32 $0x5, s13;
	s4 =	sadd.s32 $0x2, s13;
	v31 =	vmax.f32 v31, v35;
	v35 =	vmul.f32 $1.442695020e+00, v36;
	v36 =	vmul.f32 $2.000000030e-01, v19  }
0x118: {  	s9 =	sadd.s32 $0x4, s13;
	v39 =	vadd.f32 v41, v39;
	v34 =	vperm.xlane v34, v1;
	v32 =	vmul.f32 v32, v7;
	s5 =	scvt.s32.f32 s28;
	v43 =	vld [tilespmem:s1+$0x20];
	s28 =	sadd.s32 $0x1, s13;
	[tilespmem:s30+$0x10] =	vst v21  }
0x119: {  	s17 =	sadd.s32 $0x3, s13;
	v41 =	vmul.f32 s10, v2;
	s9 =	scvt.s32.f32 s9;
	s4 =	scvt.s32.f32 s4;
	v31 =	vsub.f32 v31, v3;
	v21 =	vld [tilespmem:s1+$0x10];
	v44 =	vpop (erf);
	(erf) = vpow2.f32 v38  }
0x11a: {  	s19 =	sadd.s32 $0x8, s19;
	s0 =	smax.f32 s0, $0.0e+00;
	v7 =	vmovc v5;
	v5 =	vmovc v13;
	v45 =	vmul.f32 $2.000000030e-01, v39;
	v34 =	vadd.f32 v34, v37;
	v38 =	vld [tilespmem:s1+$0xFFFFFFD0];
	s5 =	smax.f32 s5, $0.0e+00;
	(erf) = vpow2.f32 v40  }
0x11b: {  	s10 =	scvt.s32.f32 s13;
	p1 =	slt.u32 s19, $0x78;
	v36 =	vmax.f32 v19, v36;
	s5 =	smin.f32 s5, $1.000000000e+00;
	v37 =	vld [tilespmem:s1+$0x30];
	(erf) = vpow2.f32 v33;
	v33 =	vmul.f32 $1.442695020e+00, v22  }
0x11c: {  	s7 =	smin.f32 s0, $1.000000000e+00;
	s4 =	smax.f32 s4, $0.0e+00;
	v30 =	vmul.f32 v44, v30;
	v46 =	vmax.f32 v39, v45;
	v40 =	vperm.xlane v42, v1;
	v42 =	vld [tilespmem:s12+$0x10];
	v44 =	vpop (erf)  }
0x11d: {  	s0 =	scvt.s32.f32 s17;
	v45 =	vmul.f32 $2.000000030e-01, v23;
	v19 =	vmovc v34;
	v13 =	vmul.f32 s5, v2;
	s5 =	smax.f32 s9, $0.0e+00;
	v22 =	vsub.f32 v46, v3;
	v39 =	vld [tilespmem:s12+$0x30]  }
0x11e: {  	v27 =	vmul.f32 v27, v20;
	s2 =	scvt.s32.f32 s2;
	s9 =	smax.f32 s10, $0.0e+00;
	v46 =	vmul.f32 s23, v2;
	v34 =	vld [tilespmem:s12+$0x20];
	[tilespmem:s24+$0x20] =	vst v30  }
0x11f: {  	v20 =	vmul.f32 s7, v2;
	s4 =	smin.f32 s4, $1.000000000e+00;
	s9 =	smin.f32 s9, $1.000000000e+00;
	v23 =	vmax.f32 v23, v45;
	v30 =	vld [tilespmem:s12+$0xFFFFFFD0];
	(erf) = vpow2.f32 v24  }
0x120: {  	v48 =	vsub.f32 v36, v3;
	s10 =	smax.f32 s2, $0.0e+00;
	v47 =	vmul.f32 s4, v2;
	s2 =	smin.f32 s5, $1.000000000e+00;
	v24 =	vmul.f32 $2.000000030e-01, v28;
	v45 =	vld [tilespmem:s12+$0x0];
	[tilespmem:s24+$0xFFFFFFC0] =	vst v27  }
0x121: {  	s8 =	smin.f32 s8, $1.000000000e+00;
	v49 =	vsub.f32 v18, v3;
	v18 =	vmovc v23;
	v36 =	vld [tilespmem:s1+$0xFFFFFFC0];
	v42 =	vperm.xlane v42, v1;
	(erf) = vpow2.f32 v29;
	[tilespmem:s30+$0xFFFFFFD0] =	vst v32  }
0x122: {  	v29 =	vld [tilespmem:s1+$0x0];
	v23 =	vperm.xlane v39, v1;
	v39 =	vmax.f32 v28, v24;
	(erf) = vpow2.f32 v33;
	v28 =	vpop (erf)  }
0x123: {  	v24 =	vmul.f32 $1.442695020e+00, v31;
	v32 =	vperm.xlane v34, v1;
	v33 =	vsub.f32 v39, v3;
	v34 =	vpop (erf)  }
0x124: {  	v30 =	vperm.xlane v30, v1;
	v23 =	vadd.f32 v23, v37;
	v37 =	vmul.f32 s9, v2;
	v27 =	vpop (erf)  }
0x125: {  	v26 =	vmul.f32 v26, v17;
	v17 =	vmovc v46;
	v31 =	vperm.xlane v45, v1;
	v39 =	vadd.f32 v32, v43  }
0x126: {  	v28 =	vmul.f32 v28, v6;
	v6 =	vmovc v10;
	v10 =	vmovc v16;
	v16 =	vmul.f32 s2, v2;
	v36 =	vadd.f32 v40, v36  }
0x127: {  	v25 =	vmul.f32 v25, v9;
	v9 =	vmovc v12;
	v29 =	vadd.f32 v31, v29;
	v40 =	vmul.f32 $2.000000030e-01, v39;
	[tilespmem:s24+$0x0] =	vst v26  }
0x128: {  	v31 =	vadd.f32 v30, v38;
	v43 =	vmul.f32 $2.000000030e-01, v36;
	v32 =	vpop (erf);
	[tilespmem:s30+$0xFFFFFFF0] =	vst v28;
	v28 =	vmul.f32 v34, v4  }
0x129: {  	v12 =	vmovc v41;
	v4 =	vmovc v11;
	v30 =	vmul.f32 $2.000000030e-01, v29;
	v34 =	vmax.f32 v39, v40;
	(erf) = vpow2.f32 v35;
	[tilespmem:s30+$0xFFFFFFE0] =	vst v25  }
0x12a: {  	v33 =	vmul.f32 $1.442695020e+00, v33;
	v40 =	vmax.f32 v36, v43;
	v41 =	vld [tilespmem:s12+$0xFFFFFFE0];
	v36 =	vsub.f32 v34, v3;
	v26 =	vpop (erf);
	[tilespmem:s30+$0x30] =	vst v28;
	s30 =	smov.u32 s24;
	s24 =	smov.u32 s20;
	s20 =	smov.u32 s1  }
.Ltmp9:
0x12b: {  	v28 =	vsub.f32 v40, v3;
	v34 =	vld [tilespmem:s12+$0xFFFFFFF0];
	v38 =	vmax.f32 v29, v30;
	v30 =	vmul.f32 s8, v2;
	v25 =	vpop (erf);
	(pc) =	sbr.rel @p1 .LBB2_8-.Ltmp9, $4  }
0x12c: {  	s2 =	scvt.s32.f32 s28;
	v11 =	vmovc v15;
	v15 =	vmovc v37;
	v35 =	vmul.f32 $2.000000030e-01, v31;
	v39 =	vld [tilespmem:s1+$0xFFFFFFE0];
	v29 =	vsub.f32 v38, v3;
	(erf) = vpow2.f32 v33  }
0x12d: {  	s4 =	smax.f32 s0, $0.0e+00;
	s10 =	smin.f32 s10, $1.000000000e+00;
	s1 =	sadd.s32 $0x80, s1;
	v38 =	vmul.f32 $1.442695020e+00, v48;
	v33 =	vmul.f32 $1.442695020e+00, v28;
	v28 =	vadd.f32 v42, v21  }
0x12e: {  	s0 =	sadd.s32 $0x7, s13;
	s8 =	smax.f32 s2, $0.0e+00;
	s12 =	sadd.s32 $0x80, s12;
	v40 =	vmul.f32 $1.442695020e+00, v49;
	v37 =	vld [tilespmem:s20+$0xFFFFFFF0];
	v29 =	vmul.f32 $1.442695020e+00, v29  }
0x12f: {  	s13 =	sadd.s32 $0xFFFFFFF8, s13;
	s0 =	scvt.s32.f32 s0;
	s23 =	smin.f32 s4, $1.000000000e+00;
	v21 =	vmul.f32 v44, v8;
	v8 =	vmovc v14;
	v14 =	vmov v47;
	v41 =	vperm.xlane v41, v1  }
.Ltmp10:
0x130: {  	_ = 	snop;
	(pc) =	sbr.rel .LBB2_9-.Ltmp10, $1  }
0x131: {  	_ =	sdelay $0x3  }
.LBB2_12:
.Ltmp11:
0x132: {  	(pc) =	sbr.rel .LBB2_13-.Ltmp11, $3  }
0x133: {  	_ =	sdelay $0x1  }
0x134: {  	[bflag:$0x0] =	sbarrier.arrive $0xFFFF  }
0x135: {  	s3 =	simm.s32 $0x0  }
.LBB2_20:
0x136: {  	s3 =	sadd.s32 $0x1, s3  }
0x137: {  	p1 =	sne.s32 s3, $0xB  }
.Ltmp12:
0x138: {  	_ = 	snop;
	(pc) =	sbr.rel @!p1 .LBB2_21-.Ltmp12, $1  }
0x139: {  	_ =	sdelay $0x3  }
.LBB2_13:
0x13a: {  	s0 =	sshll.u32 s3, $0xA;
	s1 =	rddreg [dreg:$0x15]  }
0x13b: {  	s6 =	sadd.s32 s1, s0  }
0x13c: {  	p1 =	sgt.u32 s6, $0x5090F  }
.Ltmp13:
0x13d: {  	_ = 	snop;
	(pc) =	sbr.rel @p1 .LBB2_20-.Ltmp13, $1  }
0x13e: {  	_ =	sdelay $0x3  }
0x13f: {  	s0 =	sshrl.u32 s6, $0x3;
	s1 =	rddreg [dreg:$0x2];
	s22 =	simm.s32 $0x0  }
0x140: {  	s2 =	simm.s32 $0x186A0;
	s30 =	rddreg [dreg:$0x7];
	s1 =	sadd.s32 s1, s0  }
0x141: {  	[tilespmem:s2], [sflag:$0x1] =	stream.linear.gather [hbm4b:s1+s22], $0x400, $0x38;
	[tilespmem:$0x1DEB0] =	vst v63  }
0x142: {  	s31 =	simm.s32 $0x18AA0;
	s0 =	sadd.s32 s30, s0  }
0x143: {  	[tilespmem:s31], [sflag:$0x2] =	stream.linear.gather [hbm4b:s0+s22], $0x400, $0x38;
	[tilespmem:$0x1DEB0] =	vst v63  }
0x144: {  	_ =	swait.ge [sflag:s14], $0x400  }
.Ltmp14:
0x145: {  	[sflag:s14] =	ssyncset.done $0x0;
	(pc) =	sbr.rel .LBB2_15-.Ltmp14, $4  }
0x146: {  	[sflag:s14] =	ssyncadd.s32 $0xFFFFFC00  }
0x147: {  	_ =	swait.ge [sflag:s15], $0x400  }
0x148: {  	[sflag:s15] =	ssyncset.done $0x0  }
0x149: {  	[sflag:s15] =	ssyncadd.s32 $0xFFFFFC00  }
.LBB2_18:
0x14a: {  	[tilespmem:s20+$0xFFFFFF10] =	vst v53  }
0x14b: {  	[tilespmem:s20+$0xFFFFFF20] =	vst v52  }
0x14c: {  	[tilespmem:s20+$0xFFFFFF30] =	vst v50  }
0x14d: {  	v37 =	vmul.f32 v39, v37;
	[tilespmem:s20+$0xFFFFFF40] =	vst v51  }
0x14e: {  	v36 =	vmul.f32 v41, v36;
	[tilespmem:s20+$0xFFFFFF50] =	vst v49  }
0x14f: {  	v16 =	vmul.f32 v16, v20;
	[tilespmem:s20+$0xFFFFFF60] =	vst v37  }
0x150: {  	v15 =	vmul.f32 v15, v40;
	[tilespmem:s20+$0xFFFFFF70] =	vst v36  }
0x151: {  	v39 =	vmul.f32 v43, v35;
	[tilespmem:s20+$0xFFFFFF80] =	vst v16  }
0x152: {  	v41 =	vmul.f32 v44, v31;
	[tilespmem:s20+$0xFFFFFF90] =	vst v15  }
0x153: {  	v43 =	vmul.f32 v45, v33;
	[tilespmem:s20+$0xFFFFFFC0] =	vst v39  }
0x154: {  	v40 =	vld [tilespmem:s20+$0x20];
	v45 =	vmul.f32 v46, v30;
	[tilespmem:s20+$0xFFFFFFD0] =	vst v41  }
0x155: {  	v47 =	vmul.f32 v29, v47;
	v54 =	vld [tilespmem:s20+$0x90];
	[tilespmem:s20+$0xFFFFFFE0] =	vst v43  }
0x156: {  	v50 =	vmul.f32 v27, v48;
	v56 =	vld [tilespmem:s20+$0xA0];
	[tilespmem:s20+$0xFFFFFFF0] =	vst v45  }
0x157: {  	v57 =	vld [tilespmem:s20+$0xB0];
	v11 =	vmul.f32 v11, v12;
	[tilespmem:s20+$0x0] =	vst v47  }
0x158: {  	v58 =	vld [tilespmem:s20+$0xC0];
	v6 =	vmul.f32 v8, v6;
	[tilespmem:s20+$0x10] =	vst v50  }
0x159: {  	v59 =	vld [tilespmem:s20+$0xD0];
	v4 =	vmul.f32 v9, v4;
	[tilespmem:s30+$0x80] =	vst v11  }
0x15a: {  	v5 =	vmul.f32 v10, v5;
	[tilespmem:s24+$0xB0] =	vst v6  }
0x15b: {  	v3 =	vmul.f32 v7, v3;
	[tilespmem:s24+$0xC0] =	vst v4  }
0x15c: {  	v37 =	vmul.f32 v38, v34;
	[tilespmem:s24+$0xD0] =	vst v5  }
0x15d: {  	v38 =	vmul.f32 v42, v32;
	[tilespmem:s24+$0xE0] =	vst v3  }
0x15e: {  	[tilespmem:s20+$0xFFFFFFA0] =	vst v37;
	v52 =	vmul.f32 v40, v24  }
0x15f: {  	v60 =	vld [tilespmem:s30+$0xE0];
	[tilespmem:s20+$0xFFFFFFB0] =	vst v38;
	v14 =	vmul.f32 v14, v54  }
0x160: {  	v42 =	vld [tilespmem:s20+$0x30];
	v13 =	vmul.f32 v56, v13;
	[tilespmem:s20+$0x20] =	vst v52  }
0x161: {  	v44 =	vld [tilespmem:s20+$0x40];
	v61 =	vmul.f32 v57, v28;
	[tilespmem:s30+$0x90] =	vst v14  }
0x162: {  	v46 =	vld [tilespmem:s20+$0x50];
	v3 =	vmul.f32 v58, v26;
	[tilespmem:s30+$0xA0] =	vst v13  }
0x163: {  	v49 =	vld [tilespmem:s20+$0x60];
	v62 =	vmul.f32 v59, v25;
	[tilespmem:s30+$0xB0] =	vst v61  }
0x164: {  	v51 =	vld [tilespmem:s20+$0x70];
	v63 =	vmul.f32 v60, v23;
	[tilespmem:s30+$0xC0] =	vst v3  }
0x165: {  	v53 =	vmul.f32 v42, v21;
	[tilespmem:s30+$0xD0] =	vst v62  }
0x166: {  	v55 =	vmul.f32 v44, v22;
	[tilespmem:s30+$0xE0] =	vst v63  }
0x167: {  	v18 =	vmul.f32 v46, v18;
	[tilespmem:s20+$0x30] =	vst v53  }
0x168: {  	v19 =	vmul.f32 v49, v19;
	[tilespmem:s30+$0x40] =	vst v55  }
0x169: {  	v17 =	vmul.f32 v51, v17;
	[tilespmem:s30+$0x50] =	vst v18  }
0x16a: {  	[tilespmem:s30+$0x60] =	vst v19  }
0x16b: {  	[tilespmem:s30+$0x70] =	vst v17  }
0x16c: {  	[hbm4b:s25+s17] =	stream.linear.scatter [tilespmem:s11], [sflag:$0x1], $0x800, $0x38;
	[tilespmem:$0x1DEB0] =	vst v63  }
0x16d: {  	s0 =	rddreg [dreg:$0x3]  }
0x16e: {  	[spmem:s0] =	stream.indirect.scatter.add.f32 [tilespmem:s5], [sflag:$0x2], $0x80, s26, s16, $0xb8;
	[tilespmem:$0x1DEB0] =	vst v63  }
0x16f: {  	_ =	swait.ge [sflag:s14], $0x800  }
0x170: {  	[sflag:s14] =	ssyncset.done $0x0  }
0x171: {  	[sflag:s14] =	ssyncadd.s32 $0xFFFFF800  }
0x172: {  	_ =	swait.ge [sflag:s15], $0x4000  }
0x173: {  	[sflag:s15] =	ssyncset.done $0x0  }
0x174: {  	[sflag:s15] =	ssyncadd.s32 $0xFFFFC000  }
.LBB2_19:
0x175: {  	s22 =	sadd.s32 $0x1, s22  }
0x176: {  	p1 =	sne.s32 s22, $0x8  }
.Ltmp15:
0x177: {  	_ = 	snop;
	(pc) =	sbr.rel @!p1 .LBB2_20-.Ltmp15, $1  }
0x178: {  	_ =	sdelay $0x3  }
.LBB2_15:
0x179: {  	s0 =	sshll.u32 s22, $0x7  }
0x17a: {  	s1 =	sor.u32 s6, s0  }
0x17b: {  	p1 =	sgt.u32 s1, $0x5090F  }
.Ltmp16:
0x17c: {  	_ = 	snop;
	(pc) =	sbr.rel @p1 .LBB2_19-.Ltmp16, $1  }
0x17d: {  	_ =	sdelay $0x3  }
0x17e: {  	s1 =	sshll.u32 s1, $0x1  }
0x17f: {  	s25 =	sadd.s32 s21, s1  }
0x180: {  	[tilespmem:s11], [sflag:$0x1] =	stream.linear.gather [hbm4b:s25+s17], $0x800, $0x38;
	[tilespmem:$0x1DEB0] =	vst v63  }
0x181: {  	s13 =	sadd.s32 $0x186A0, s0;
	s2 =	rddreg [dreg:$0x1]  }
0x182: {  	[tilespmem:s5], [sflag:$0x2] =	stream.indirect.gather [hbm4b:s2+s16], $0x80, s13, s16, $0xb8;
	[tilespmem:$0x1DEB0] =	vst v63  }
0x183: {  	s26 =	sadd.s32 $0x18AA0, s0  }
0x184: {  	[tilespmem:s7], [sflag:$0x3] =	stream.indirect.gather [spmem:s18], $0x10, s26, s16, $0xb8;
	[tilespmem:$0x1DEB0] =	vst v63  }
0x185: {  	_ =	swait.ge [sflag:s14], $0x800  }
0x186: {  	[sflag:s14] =	ssyncset.done $0x0  }
0x187: {  	[sflag:s14] =	ssyncadd.s32 $0xFFFFF800  }
0x188: {  	_ =	swait.ge [sflag:s15], $0x4000  }
0x189: {  	[sflag:s15] =	ssyncset.done $0x0  }
0x18a: {  	s19 =	simm.s32 $0x3;
	[sflag:s15] =	ssyncadd.s32 $0xFFFFC000  }
0x18b: {  	_ =	swait.ge [sflag:s19], $0x800  }
0x18c: {  	[sflag:s19] =	ssyncset.done $0x0  }
0x18d: {  	s20 =	simm.s32 $0x196C0;
	[sflag:s19] =	ssyncadd.s32 $0xFFFFF800  }
0x18e: {  	v3 =	vld [tilespmem:s20+$0x10];
	_ =	sdelay $0x1  }
0x18f: {  	v4 =	vld [tilespmem:s20+$0xFFFFFFE0];
	_ =	sdelay $0x1  }
0x190: {  	v5 =	vld [tilespmem:s20+$0xFFFFFFF0]  }
0x191: {  	v3 =	vadd.f32 $1.000000020e-16, v3;
	_ =	sdelay $0x1  }
0x192: {  	v4 =	vadd.f32 $1.000000020e-16, v4;
	(erf) = vrcp.f32 v3;
	v3 =	vld [tilespmem:s20+$0x0];
	_ =	sdelay $0x1  }
0x193: {  	v5 =	vadd.f32 $1.000000020e-16, v5;
	(erf) = vrcp.f32 v4;
	_ =	sdelay $0x1  }
0x194: {  	s23 =	simm.s32 $0x18EC0;
	(erf) = vrcp.f32 v5  }
0x195: {  	v4 =	vld [tilespmem:s23+$0x10];
	v3 =	vadd.f32 $1.000000020e-16, v3;
	_ =	sdelay $0x1  }
0x196: {  	v6 =	vld [tilespmem:s23+$0xFFFFFFE0]  }
0x197: {  	v8 =	vld [tilespmem:s23+$0x0]  }
0x198: {  	s28 =	simm.s32 $0x19700;
	v5 =	vld [tilespmem:s23+$0xFFFFFFF0];
	(erf) = vrcp.f32 v3;
	v3 =	vpop (erf)  }
0x199: {  	v54 =	vld [tilespmem:s28+$0x10];
	v3 =	vmul.f32 v3, v4  }
0x19a: {  	v55 =	vld [tilespmem:s28+$0xFFFFFFE0];
	v4 =	vpop (erf)  }
0x19b: {  	s24 =	simm.s32 $0x19FA0;
	v56 =	vld [tilespmem:s28+$0xFFFFFFF0];
	v4 =	vmul.f32 v4, v6;
	[tilespmem:s23+$0x10] =	vst v3  }
0x19c: {  	v7 =	vpop (erf);
	v6 =	vld [tilespmem:s24+$0xF0]  }
0x19d: {  	v5 =	vmul.f32 v7, v5;
	v7 =	vld [tilespmem:s24+$0x80];
	[tilespmem:s23+$0xFFFFFFE0] =	vst v4  }
0x19e: {  	v10 =	vld [tilespmem:s24+$0xFFFFFF00]  }
0x19f: {  	v14 =	vbroadcast v3, $0x0;
	v22 =	vbroadcast v3, $0x7;
	v11 =	vld [tilespmem:s24+$0xFFFFFF10]  }
0x1a0: {  	v52 =	vbroadcast v3, $0x1;
	v53 =	vbroadcast v3, $0x2;
	v13 =	vld [tilespmem:s24+$0xFFFFFF20]  }
0x1a1: {  	v18 =	vbroadcast v4, $0x0;
	v19 =	vbroadcast v4, $0x1;
	v17 =	vld [tilespmem:s24+$0xFFFFFF40]  }
0x1a2: {  	v21 =	vbroadcast v4, $0x2;
	v24 =	vbroadcast v4, $0x3;
	v20 =	vld [tilespmem:s24+$0xFFFFFF50]  }
0x1a3: {  	v25 =	vbroadcast v4, $0x4;
	v27 =	vbroadcast v4, $0x5;
	v23 =	vld [tilespmem:s24+$0xFFFFFF60]  }
0x1a4: {  	v29 =	vbroadcast v4, $0x6;
	v30 =	vbroadcast v4, $0x7;
	[tilespmem:s23+$0xFFFFFFF0] =	vst v5;
	v26 =	vld [tilespmem:s24+$0xFFFFFF70]  }
0x1a5: {  	v4 =	vbroadcast v3, $0x4;
	v15 =	vbroadcast v5, $0x0;
	v9 =	vld [tilespmem:s24+$0xFFFFFF80]  }
0x1a6: {  	v16 =	vbroadcast v5, $0x1;
	v32 =	vbroadcast v5, $0x2;
	v28 =	vld [tilespmem:s24+$0xFFFFFF90]  }
0x1a7: {  	v33 =	vbroadcast v5, $0x3;
	v35 =	vbroadcast v5, $0x4;
	v31 =	vld [tilespmem:s24+$0xFFFFFFA0]  }
0x1a8: {  	v36 =	vbroadcast v5, $0x5;
	v38 =	vbroadcast v5, $0x6;
	v34 =	vld [tilespmem:s24+$0xFFFFFFB0];
	v12 =	vpop (erf)  }
0x1a9: {  	v39 =	vbroadcast v5, $0x7;
	v37 =	vld [tilespmem:s24+$0xFFFFFFC0];
	v8 =	vmul.f32 v12, v8  }
0x1aa: {  	v5 =	vbroadcast v3, $0x5;
	v40 =	vld [tilespmem:s24+$0xFFFFFFD0];
	v22 =	vmul.f32 v6, v22  }
0x1ab: {  	v43 =	vld [tilespmem:s24+$0xFFFFFFE0];
	v6 =	vbroadcast v3, $0x3;
	v41 =	vbroadcast v8, $0x0  }
0x1ac: {  	v46 =	vld [tilespmem:s24+$0xFFFFFFF0];
	v42 =	vbroadcast v8, $0x1;
	v44 =	vbroadcast v8, $0x2  }
0x1ad: {  	v12 =	vld [tilespmem:s24+$0xFFFFFF30];
	v45 =	vbroadcast v8, $0x3;
	v47 =	vbroadcast v8, $0x4  }
0x1ae: {  	[tilespmem:s23+$0x0] =	vst v8;
	v48 =	vbroadcast v8, $0x5;
	v10 =	vmul.f32 v18, v10;
	v18 =	vld [tilespmem:s28+$0x0]  }
0x1af: {  	v50 =	vbroadcast v8, $0x6;
	v51 =	vbroadcast v8, $0x7;
	v49 =	vld [tilespmem:s24+$0x0]  }
0x1b0: {  	v11 =	vmul.f32 v19, v11;
	v13 =	vmul.f32 v13, v21;
	v8 =	vld [tilespmem:s24+$0x10]  }
0x1b1: {  	v17 =	vmul.f32 v17, v25;
	v20 =	vmul.f32 v20, v27;
	v21 =	vadd.f32 $1.000000020e-16, v54;
	v19 =	vld [tilespmem:s24+$0x20];
	[tilespmem:s24+$0xF0] =	vst v22  }
0x1b2: {  	v25 =	vadd.f32 $1.000000020e-16, v55;
	v22 =	vmul.f32 v23, v29;
	v23 =	vmul.f32 v26, v30;
	v26 =	vld [tilespmem:s24+$0x40];
	[tilespmem:s24+$0xFFFFFF00] =	vst v10  }
0x1b3: {  	s29 =	simm.s32 $0x18F00;
	v9 =	vmul.f32 v15, v9;
	v15 =	vld [tilespmem:s24+$0x50];
	(erf) = vrcp.f32 v21;
	[tilespmem:s24+$0xFFFFFF10] =	vst v11  }
0x1b4: {  	v3 =	vbroadcast v3, $0x6;
	v30 =	vld [tilespmem:s29+$0xFFFFFFF0];
	v10 =	vadd.f32 $1.000000020e-16, v56;
	[tilespmem:s24+$0xFFFFFF20] =	vst v13;
	(erf) = vrcp.f32 v25  }
0x1b5: {  	v27 =	vmul.f32 v43, v38;
	v11 =	vmul.f32 v16, v28;
	[tilespmem:s24+$0xFFFFFF50] =	vst v20;
	v20 =	vld [tilespmem:s29+$0x10]  }
0x1b6: {  	v13 =	vmul.f32 v31, v32;
	[tilespmem:s24+$0xFFFFFF40] =	vst v17;
	v31 =	vld [tilespmem:s29+$0xFFFFFFE0];
	(erf) = vrcp.f32 v10  }
0x1b7: {  	v17 =	vmul.f32 v37, v35;
	v12 =	vmul.f32 v12, v24;
	v24 =	vld [tilespmem:s24+$0x30];
	[tilespmem:s24+$0xFFFFFF60] =	vst v22  }
0x1b8: {  	v21 =	vmul.f32 v40, v36;
	v28 =	vmul.f32 v46, v39;
	v25 =	vld [tilespmem:s24+$0xA0];
	[tilespmem:s24+$0xFFFFFF70] =	vst v23  }
0x1b9: {  	v23 =	vmul.f32 v14, v7;
	v10 =	vld [tilespmem:s24+$0x70];
	v16 =	vadd.f32 $1.000000020e-16, v18;
	[tilespmem:s24+$0xFFFFFF30] =	vst v12;
	v12 =	vmul.f32 v34, v33  }
0x1ba: {  	[tilespmem:s24+$0xFFFFFF80] =	vst v9;
	v18 =	vld [tilespmem:s24+$0x60];
	v22 =	vmul.f32 v41, v49;
	v29 =	vmul.f32 v42, v8  }
0x1bb: {  	[tilespmem:s24+$0xFFFFFF90] =	vst v11;
	v14 =	vmul.f32 v19, v44;
	(erf) = vrcp.f32 v16;
	v16 =	vld [tilespmem:s24+$0x90]  }
0x1bc: {  	v9 =	vld [tilespmem:s24+$0xC0];
	[tilespmem:s24+$0xFFFFFFA0] =	vst v13;
	v26 =	vmul.f32 v26, v47;
	v38 =	vmul.f32 v15, v48;
	v7 =	vpop (erf)  }
0x1bd: {  	[tilespmem:s24+$0xFFFFFFC0] =	vst v17;
	v19 =	vld [tilespmem:s29+$0x0];
	v24 =	vmul.f32 v24, v45;
	v48 =	vmul.f32 v25, v53;
	v15 =	vpop (erf)  }
0x1be: {  	[tilespmem:s24+$0xFFFFFFD0] =	vst v21;
	v8 =	vld [tilespmem:s24+$0xB0];
	v13 =	vmul.f32 v10, v51;
	v17 =	vmul.f32 v15, v31  }
0x1bf: {  	[tilespmem:s24+$0x80] =	vst v23;
	v10 =	vld [tilespmem:s24+$0xD0];
	v42 =	vmul.f32 v18, v50;
	v46 =	vmul.f32 v7, v20;
	v7 =	vpop (erf)  }
0x1c0: {  	s20 =	simm.s32 $0x1A1A0;
	v47 =	vmul.f32 v52, v16;
	v18 =	vmul.f32 v7, v30;
	v7 =	vld [tilespmem:s24+$0xE0];
	[tilespmem:s29+$0xFFFFFFE0] =	vst v17  }
0x1c1: {  	[tilespmem:s24+$0x20] =	vst v14;
	v11 =	vbroadcast v46, $0x0;
	v21 =	vbroadcast v46, $0x7;
	v51 =	vld [tilespmem:s20+$0xFFFFFF00]  }
0x1c2: {  	[tilespmem:s24+$0x70] =	vst v13;
	v14 =	vbroadcast v46, $0x1;
	v13 =	vbroadcast v46, $0x2;
	v53 =	vld [tilespmem:s20+$0xFFFFFF10]  }
0x1c3: {  	[tilespmem:s24+$0x40] =	vst v26;
	v26 =	vbroadcast v46, $0x4;
	v23 =	vbroadcast v46, $0x6;
	v56 =	vld [tilespmem:s20+$0xFFFFFF20]  }
0x1c4: {  	v49 =	vbroadcast v17, $0x0;
	v50 =	vbroadcast v17, $0x1;
	v58 =	vld [tilespmem:s20+$0xFFFFFF30]  }
0x1c5: {  	v52 =	vbroadcast v17, $0x2;
	v54 =	vbroadcast v17, $0x3;
	v59 =	vld [tilespmem:s20+$0xFFFFFF40]  }
0x1c6: {  	[tilespmem:s24+$0xFFFFFFE0] =	vst v27;
	v55 =	vbroadcast v17, $0x4;
	v57 =	vbroadcast v17, $0x5;
	v60 =	vld [tilespmem:s20+$0xFFFFFF50]  }
0x1c7: {  	[tilespmem:s24+$0xFFFFFFB0] =	vst v12;
	v37 =	vbroadcast v17, $0x6;
	v36 =	vbroadcast v17, $0x7;
	v39 =	vld [tilespmem:s20+$0xFFFFFF60]  }
0x1c8: {  	[tilespmem:s29+$0x10] =	vst v46;
	v12 =	vpop (erf);
	v16 =	vbroadcast v18, $0x0;
	v15 =	vbroadcast v18, $0x1;
	v41 =	vld [tilespmem:s20+$0xFFFFFF70]  }
0x1c9: {  	[tilespmem:s24+$0x0] =	vst v22;
	v34 =	vbroadcast v18, $0x2;
	v25 =	vmul.f32 v12, v19;
	v19 =	vld [tilespmem:s20+$0xF0]  }
0x1ca: {  	[tilespmem:s29+$0xFFFFFFF0] =	vst v18;
	v32 =	vbroadcast v18, $0x3;
	v35 =	vbroadcast v18, $0x4;
	v12 =	vld [tilespmem:s20+$0x80]  }
0x1cb: {  	[tilespmem:s24+$0x10] =	vst v29;
	v31 =	vbroadcast v18, $0x5;
	v33 =	vbroadcast v18, $0x6;
	v20 =	vld [tilespmem:s20+$0xFFFFFF80]  }
0x1cc: {  	[tilespmem:s24+$0x50] =	vst v38;
	v30 =	vbroadcast v18, $0x7;
	v40 =	vld [tilespmem:s20+$0xFFFFFF90];
	v29 =	vbroadcast v25, $0x0  }
0x1cd: {  	[tilespmem:s24+$0x30] =	vst v24;
	v38 =	vld [tilespmem:s20+$0xFFFFFFA0];
	v27 =	vbroadcast v25, $0x1;
	v24 =	vbroadcast v25, $0x2  }
0x1ce: {  	[tilespmem:s24+$0x60] =	vst v42;
	v42 =	vld [tilespmem:s20+$0xFFFFFFB0];
	v22 =	vbroadcast v25, $0x4;
	v18 =	vbroadcast v25, $0x5  }
0x1cf: {  	[tilespmem:s24+$0xFFFFFFF0] =	vst v28;
	v43 =	vld [tilespmem:s20+$0xFFFFFFC0];
	v17 =	vbroadcast v25, $0x7;
	v49 =	vmul.f32 v49, v51  }
0x1d0: {  	[tilespmem:s24+$0xA0] =	vst v48;
	v44 =	vld [tilespmem:s20+$0xFFFFFFD0];
	v53 =	vmul.f32 v50, v53;
	v52 =	vmul.f32 v56, v52  }
0x1d1: {  	v45 =	vld [tilespmem:s20+$0xFFFFFFE0];
	[tilespmem:s29+$0x0] =	vst v25;
	v50 =	vmul.f32 v58, v54;
	v51 =	vmul.f32 v59, v55  }
0x1d2: {  	[tilespmem:s24+$0x90] =	vst v47;
	v47 =	vld [tilespmem:s20+$0x0];
	v28 =	vmul.f32 v19, v21;
	v21 =	vbroadcast v25, $0x3  }
0x1d3: {  	v48 =	vld [tilespmem:s20+$0x10];
	v19 =	vbroadcast v25, $0x6;
	v25 =	vbroadcast v46, $0x5;
	[tilespmem:s20+$0xFFFFFF00] =	vst v49  }
0x1d4: {  	s31 =	simm.s32 $0x19740;
	s30 =	simm.s32 $0x1A1A0;
	s19 =	simm.s32 $0x4;
	v49 =	vmul.f32 v60, v57;
	[tilespmem:s20+$0xF0] =	vst v28;
	v28 =	vbroadcast v46, $0x3;
	v46 =	vld [tilespmem:s20+$0xFFFFFFF0]  }
.LBB2_17:
0x1d5: {  	v54 =	vld [tilespmem:s31+$0x10];
	s19 =	sadd.s32 $0x4, s19;
	[tilespmem:s20+$0xFFFFFF10] =	vst v53;
	v37 =	vmul.f32 v39, v37;
	v36 =	vmul.f32 v41, v36  }
0x1d6: {  	v16 =	vmul.f32 v16, v20;
	v15 =	vmul.f32 v15, v40;
	v39 =	vld [tilespmem:s31+$0xFFFFFFE0];
	p1 =	slt.u32 s19, $0x7C;
	[tilespmem:s20+$0xFFFFFF20] =	vst v52  }
0x1d7: {  	v34 =	vmul.f32 v38, v34;
	v32 =	vmul.f32 v42, v32;
	v20 =	vld [tilespmem:s31+$0xFFFFFFF0];
	[tilespmem:s20+$0xFFFFFF30] =	vst v50  }
0x1d8: {  	v35 =	vmul.f32 v43, v35;
	v31 =	vmul.f32 v44, v31;
	v40 =	vld [tilespmem:s31+$0x0];
	[tilespmem:s20+$0xFFFFFF40] =	vst v51  }
0x1d9: {  	v33 =	vmul.f32 v45, v33;
	v30 =	vmul.f32 v46, v30;
	[tilespmem:s20+$0xFFFFFF50] =	vst v49;
	v41 =	vld [tilespmem:s20+$0x20]  }
0x1da: {  	v29 =	vmul.f32 v29, v47;
	v27 =	vmul.f32 v27, v48;
	v42 =	vadd.f32 $1.000000020e-16, v54;
	[tilespmem:s20+$0xFFFFFF60] =	vst v37;
	v37 =	vld [tilespmem:s20+$0x30]  }
0x1db: {  	v43 =	vmul.f32 v11, v12;
	v38 =	vmul.f32 v8, v6;
	v6 =	vmovc v28;
	v39 =	vadd.f32 $1.000000020e-16, v39;
	[tilespmem:s20+$0xFFFFFF70] =	vst v36;
	v36 =	vld [tilespmem:s20+$0x40]  }
0x1dc: {  	v28 =	vmul.f32 v9, v4;
	v4 =	vmovc v26;
	v8 =	vadd.f32 $1.000000020e-16, v20;
	(erf) = vrcp.f32 v42;
	[tilespmem:s20+$0xFFFFFF80] =	vst v16;
	v11 =	vld [tilespmem:s20+$0x50]  }
0x1dd: {  	v26 =	vmul.f32 v10, v5;
	v5 =	vmovc v25;
	v9 =	vadd.f32 $1.000000020e-16, v40;
	(erf) = vrcp.f32 v39;
	[tilespmem:s20+$0xFFFFFF90] =	vst v15;
	v12 =	vld [tilespmem:s20+$0x60]  }
0x1de: {  	(erf) = vrcp.f32 v8;
	[tilespmem:s20+$0xFFFFFFA0] =	vst v34;
	v10 =	vmul.f32 v41, v24;
	v8 =	vld [tilespmem:s20+$0x70]  }
0x1df: {  	(erf) = vrcp.f32 v9;
	[tilespmem:s20+$0xFFFFFFB0] =	vst v32;
	v15 =	vmul.f32 v37, v21;
	v9 =	vld [tilespmem:s20+$0x90]  }
0x1e0: {  	s29 =	sadd.s32 $0x40, s29;
	v25 =	vmul.f32 v7, v3;
	v3 =	vmov v23;
	[tilespmem:s20+$0xFFFFFFC0] =	vst v35;
	v16 =	vmul.f32 v36, v22;
	v20 =	vld [tilespmem:s20+$0xA0]  }
0x1e1: {  	v7 =	vld [tilespmem:s29+$0x10];
	[tilespmem:s20+$0xFFFFFFD0] =	vst v31;
	v18 =	vmul.f32 v11, v18  }
0x1e2: {  	v11 =	vld [tilespmem:s29+$0xFFFFFFF0];
	[tilespmem:s20+$0xFFFFFFE0] =	vst v33;
	v19 =	vmul.f32 v12, v19  }
0x1e3: {  	v12 =	vld [tilespmem:s29+$0x0];
	[tilespmem:s20+$0xFFFFFFF0] =	vst v30;
	v17 =	vmul.f32 v8, v17  }
0x1e4: {  	v21 =	vld [tilespmem:s29+$0xFFFFFFE0];
	[tilespmem:s20+$0x0] =	vst v29;
	v14 =	vmul.f32 v14, v9  }
0x1e5: {  	v9 =	vpop (erf);
	[tilespmem:s20+$0x10] =	vst v27;
	v13 =	vmul.f32 v20, v13;
	v8 =	vld [tilespmem:s20+$0xB0]  }
0x1e6: {  	v23 =	vmul.f32 v9, v7;
	v20 =	vpop (erf);
	[tilespmem:s20+$0x20] =	vst v10;
	v9 =	vld [tilespmem:s20+$0xC0]  }
0x1e7: {  	v7 =	vpop (erf);
	[tilespmem:s20+$0x30] =	vst v15;
	v10 =	vld [tilespmem:s20+$0xD0]  }
0x1e8: {  	s20 =	sadd.s32 $0x200, s20;
	v22 =	vmul.f32 v7, v11;
	[tilespmem:s29+$0x10] =	vst v23;
	v11 =	vbroadcast v23, $0x0;
	v15 =	vpop (erf);
	v7 =	vld [tilespmem:s30+$0xE0]  }
0x1e9: {  	v21 =	vmul.f32 v20, v21;
	v44 =	vmul.f32 v15, v12;
	v24 =	vld [tilespmem:s20+$0xF0];
	[tilespmem:s30+$0x40] =	vst v16  }
0x1ea: {  	[tilespmem:s29+$0xFFFFFFF0] =	vst v22;
	v16 =	vbroadcast v22, $0x0;
	v15 =	vbroadcast v22, $0x1;
	v12 =	vld [tilespmem:s20+$0x80]  }
0x1eb: {  	[tilespmem:s29+$0xFFFFFFE0] =	vst v21;
	v46 =	vbroadcast v21, $0x0;
	v47 =	vbroadcast v21, $0x1;
	v20 =	vld [tilespmem:s20+$0xFFFFFF80]  }
0x1ec: {  	v27 =	vbroadcast v23, $0x7;
	v49 =	vbroadcast v21, $0x2;
	v48 =	vld [tilespmem:s20+$0xFFFFFF00];
	[tilespmem:s29+$0x0] =	vst v44  }
0x1ed: {  	v51 =	vbroadcast v21, $0x3;
	v54 =	vbroadcast v21, $0x4;
	v50 =	vld [tilespmem:s20+$0xFFFFFF10];
	[tilespmem:s30+$0x50] =	vst v18  }
0x1ee: {  	v55 =	vbroadcast v21, $0x5;
	v52 =	vld [tilespmem:s20+$0xFFFFFF20];
	v18 =	vmul.f32 v24, v27;
	[tilespmem:s30+$0x60] =	vst v19  }
0x1ef: {  	v37 =	vbroadcast v21, $0x6;
	v36 =	vbroadcast v21, $0x7;
	v56 =	vld [tilespmem:s20+$0xFFFFFF30];
	[tilespmem:s30+$0x70] =	vst v17  }
0x1f0: {  	v34 =	vbroadcast v22, $0x2;
	v32 =	vbroadcast v22, $0x3;
	v57 =	vld [tilespmem:s20+$0xFFFFFF40];
	[tilespmem:s20+$0xF0] =	vst v18  }
0x1f1: {  	v35 =	vbroadcast v22, $0x4;
	v31 =	vbroadcast v22, $0x5;
	v58 =	vld [tilespmem:s20+$0xFFFFFF50];
	[tilespmem:s30+$0x80] =	vst v43  }
0x1f2: {  	v33 =	vbroadcast v22, $0x6;
	v30 =	vbroadcast v22, $0x7;
	v39 =	vld [tilespmem:s20+$0xFFFFFF60];
	[tilespmem:s30+$0x90] =	vst v14  }
0x1f3: {  	v29 =	vbroadcast v44, $0x0;
	v27 =	vbroadcast v44, $0x1;
	v41 =	vld [tilespmem:s20+$0xFFFFFF70];
	[tilespmem:s30+$0xA0] =	vst v13  }
0x1f4: {  	v21 =	vbroadcast v44, $0x3;
	v24 =	vbroadcast v44, $0x2;
	v40 =	vld [tilespmem:s20+$0xFFFFFF90];
	[tilespmem:s24+$0xB0] =	vst v38  }
0x1f5: {  	v22 =	vbroadcast v44, $0x4;
	v18 =	vbroadcast v44, $0x5;
	v38 =	vld [tilespmem:s20+$0xFFFFFFA0];
	[tilespmem:s24+$0xC0] =	vst v28  }
0x1f6: {  	v19 =	vbroadcast v44, $0x6;
	v17 =	vbroadcast v44, $0x7;
	v42 =	vld [tilespmem:s20+$0xFFFFFFB0];
	[tilespmem:s24+$0xD0] =	vst v26  }
0x1f7: {  	v14 =	vbroadcast v23, $0x1;
	v13 =	vbroadcast v23, $0x2;
	v43 =	vld [tilespmem:s20+$0xFFFFFFC0];
	[tilespmem:s24+$0xE0] =	vst v25;
	s24 =	smov.u32 s30;
	s30 =	smov.u32 s20  }
.Ltmp17:
0x1f8: {  	v28 =	vbroadcast v23, $0x3;
	v26 =	vbroadcast v23, $0x4;
	v44 =	vld [tilespmem:s20+$0xFFFFFFD0];
	(pc) =	sbr.rel @p1 .LBB2_17-.Ltmp17, $4  }
0x1f9: {  	v25 =	vbroadcast v23, $0x5;
	v23 =	vbroadcast v23, $0x6;
	v45 =	vld [tilespmem:s20+$0xFFFFFFE0]  }
0x1fa: {  	v48 =	vmul.f32 v46, v48;
	v53 =	vmul.f32 v47, v50;
	v46 =	vld [tilespmem:s20+$0xFFFFFFF0]  }
0x1fb: {  	v52 =	vmul.f32 v52, v49;
	v50 =	vmul.f32 v56, v51;
	v47 =	vld [tilespmem:s20+$0x0]  }
0x1fc: {  	s31 =	sadd.s32 $0x40, s31;
	v51 =	vmul.f32 v57, v54;
	v49 =	vmul.f32 v58, v55;
	[tilespmem:s20+$0xFFFFFF00] =	vst v48;
	v48 =	vld [tilespmem:s20+$0x10]  }
.Ltmp18:
0x1fd: {  	_ = 	snop;
	(pc) =	sbr.rel .LBB2_18-.Ltmp18, $1  }
0x1fe: {  	_ =	sdelay $0x3  }
.LBB2_22:
0x1ff: {  	_ =	sfence.sel $0x180000  }
0x200: {  	[bflag:$0x0] =	sbarrier.arrive $0xFFFF  }
0x201: {  	_ =	strace $0x90000047  }
0x202: {  	[bflag:$0x2] =	sbarrier.arrive $0xFFFF  }
0x203: {  	s0 =	rddreg [dreg:$0x6]  }
0x204: {  	s0 =	sadd.s32 @!p0 $0x100000, s0  }
0x205: {  	[sflag:s0] =	ssyncadd.tile.s32 @!p0 $0x1;
	_ =	shalt  }
.Lfunc_end2:
_tile_overlayer_lowered:
.L_overlay_start_2:
0x206: {  	(tag) =	ssettag $0x2  }
0x207: {  	s0 =	rddreg [dreg:$0x0];
	s2 =	stileid.u32  }
0x208: {  	s1 =	rddreg [dreg:$0x1];
	p0 =	sne.s32 s2, $0x0  }
0x209: {  	s3 =	rddreg [dreg:$0x2];
	[bflag:$0x3] =	sbarrier.arrive $0xFFFF;
	s2 =	simm.s32 @!p0 $0x1C04  }
0x20a: {  	[timem:s3], [sflag:s2] =	dma.local @!p0 [hbm:s0], s1  }
0x20b: {  	s0 =	simm.s32 @!p0 $0x4  }
0x20c: {  	_ =	swait.ge @!p0 [sflag:s0], s1  }
0x20d: {  	s1 =	ssub.s32 @!p0 $0x0, s1;
	[sflag:s0] =	ssyncset.done @!p0 $0x0  }
0x20e: {  	[sflag:s0] =	ssyncadd.s32 @!p0 s1  }
0x20f: {  	[bflag:$0x3] =	sbarrier.arrive $0xFFFF  }
0x210: {  	_ =	shalt  }

</sc_bundles>
